<compile_context>
chip_gen: v7x
topology: tpu7x:2x2x1
jax: 0.10.2.dev20260603
libtpu: 0.0.44.dev20260713+nightly
codegen_flags: <defaults>
</compile_context>

<pallas_src>
import functools

import jax
import jax.numpy as jnp
from jax import lax
from jax.experimental import pallas as pl
from jax.experimental.pallas import tpu as pltpu
from jax.experimental.pallas import tpu_sc as plsc

_T = 16
_LANES = 16
_NC, _NS = 2, 16
_NW = _NC * _NS
_DESIRED = 5.0
_UNDESIRED = 0.0


@functools.partial(jax.jit, static_argnames=("sc_rows", "nn", "rows"))
def _sc_partials(out3d, tgt2d, *, sc_rows, nn, rows):
    rows_per_w = sc_rows // _NW
    nchunk = rows_per_w // rows

    mesh = plsc.VectorSubcoreMesh(core_axis_name="c", subcore_axis_name="s")

    def compute_chunk(buf, tbuf, acc):
        def r_body(r, acc):
            def j_body(j, acc):
                col = j * _LANES
                cnt = buf[0, r, pl.ds(col, _LANES)]
                for t in range(1, _T):
                    cnt = cnt + buf[t, r, pl.ds(col, _LANES)]
                tg = tbuf[r, pl.ds(col, _LANES)].astype(jnp.float32)
                delta = (cnt - tg) * (1.0 / _T)
                zero = jnp.zeros_like(delta)
                m = ((tg == _DESIRED) & (delta > zero)) | (
                    (tg == _UNDESIRED) & (delta < zero))
                delta = jnp.where(m, zero, delta)
                return acc + delta * delta

            return lax.fori_loop(0, nn // _LANES, j_body, acc)

        return lax.fori_loop(0, rows, r_body, acc)

    @functools.partial(
        pl.kernel,
        mesh=mesh,
        out_type=jax.ShapeDtypeStruct((_NW, _LANES), jnp.float32),
        scratch_types=[
            pltpu.VMEM((_T, rows, nn), jnp.float32),
            pltpu.VMEM((_T, rows, nn), jnp.float32),
            pltpu.VMEM((rows, nn), jnp.int32),
            pltpu.VMEM((rows, nn), jnp.int32),
            pltpu.VMEM((_LANES,), jnp.float32),
            pltpu.SemaphoreType.DMA,
            pltpu.SemaphoreType.DMA,
            pltpu.SemaphoreType.DMA,
            pltpu.SemaphoreType.DMA,
        ],
    )
    def partials(out_hbm, tgt_hbm, res_hbm, buf_a, buf_b, tbuf_a, tbuf_b,
                 accv, sem_a, sem_b, tsem_a, tsem_b):
        wid = lax.axis_index("c") * _NS + lax.axis_index("s")
        base = wid * rows_per_w

        def start(ci, buf, tbuf, sem, tsem):
            off = base + ci * rows
            pltpu.async_copy(out_hbm.at[:, pl.ds(off, rows), :], buf, sem)
            pltpu.async_copy(tgt_hbm.at[pl.ds(off, rows), :], tbuf, tsem)

        def wait(buf, tbuf, sem, tsem):
            pltpu.make_async_copy(
                out_hbm.at[:, pl.ds(base, rows), :], buf, sem).wait()
            pltpu.make_async_copy(
                tgt_hbm.at[pl.ds(base, rows), :], tbuf, tsem).wait()

        start(0, buf_a, tbuf_a, sem_a, tsem_a)

        def pair_body(i, acc):
            c = 2 * i
            start(c + 1, buf_b, tbuf_b, sem_b, tsem_b)
            wait(buf_a, tbuf_a, sem_a, tsem_a)
            acc = compute_chunk(buf_a, tbuf_a, acc)

            @pl.when(c + 2 < nchunk)
            def _():
                start(c + 2, buf_a, tbuf_a, sem_a, tsem_a)

            wait(buf_b, tbuf_b, sem_b, tsem_b)
            return compute_chunk(buf_b, tbuf_b, acc)

        acc = lax.fori_loop(0, nchunk // 2, pair_body,
                            jnp.zeros((_LANES,), jnp.float32))
        accv[...] = acc
        pltpu.sync_copy(accv, res_hbm.at[wid])

    return partials(out3d, tgt2d)


def _tc_loss_block(out_ref, tgt_ref, res_ref):
    i = pl.program_id(0)
    x = out_ref[...]
    cnt = jnp.sum(x, axis=0)
    tg = tgt_ref[...].astype(jnp.float32)
    delta = (cnt - tg) * (1.0 / _T)
    zero = jnp.zeros_like(delta)
    m = ((tg == _DESIRED) & (delta > zero)) | (
        (tg == _UNDESIRED) & (delta < zero))
    delta = jnp.where(m, zero, delta)
    part = jnp.sum(delta * delta)

    @pl.when(i == 0)
    def _():
        res_ref[...] = jnp.zeros_like(res_ref)

    res_ref[...] += part * jnp.ones((1, 128), jnp.float32)


@functools.partial(jax.jit, static_argnames=("row0", "rb"))
def _tc_partial(out3d, tgt2d, *, row0, rb):
    t, nb, nn = out3d.shape
    grid = (nb - row0) // rb
    blk0 = row0 // rb
    res = pl.pallas_call(
        _tc_loss_block,
        grid=(grid,),
        in_specs=[
            pl.BlockSpec((t, rb, nn), lambda i: (0, i + blk0, 0)),
            pl.BlockSpec((rb, nn), lambda i: (i + blk0, 0)),
        ],
        out_specs=pl.BlockSpec((1, 128), lambda i: (0, 0)),
        out_shape=jax.ShapeDtypeStruct((1, 128), jnp.float32),
    )(out3d, tgt2d)
    return res[0, 0]


_SC_ROWS = 512


def kernel(output, target):
    t, nb, nn = output.shape
    tgt = target.astype(jnp.int32)
    sc_parts = _sc_partials(output, tgt, sc_rows=_SC_ROWS, nn=nn, rows=4)
    tc_part = _tc_partial(output, tgt, row0=_SC_ROWS, rb=256)
    return 0.5 * t * (jnp.sum(sc_parts) + tc_part)

# --- scband reference (transcript-rebuilt; emitter-appended) ---
"""Pipeline reference for scband-spike-loss-47021301957067 (READ-ONLY COPY).

The authoritative reference and input builder live on the scoring server;
editing this copy changes nothing except your own understanding.
"""

import jax, jax.numpy as jnp
import numpy as np

# glv.network_config constants assumed (typical SNN count-loss config)
DESIRED_COUNT = 5
UNDESIRED_COUNT = 0
LOSS_REVERSE = False


def setup_inputs(seed: int = 0) -> dict:
    key = jax.random.key(seed)
    k1, k2 = jax.random.split(key)
    # output: spike train activations [T, n_batch, N]
    output = jax.random.uniform(k1, (16, 4096, 512), dtype=jnp.float32)
    # target: desired spike counts per neuron [n_batch, N], values in [0, 6)
    target = jax.random.randint(k2, (4096, 512), 0, 6)
    return {"output": output, "target": target}


def _loss_count_delta(output, target):
    # faithful translation of loss_count.forward
    T = output.shape[0]
    out_count = jnp.sum(output, axis=0)
    delta = (out_count - target.astype(output.dtype)) / T
    mask = ((target == DESIRED_COUNT) & (delta > 0)) | ((target == UNDESIRED_COUNT) & (delta < 0))
    delta = jnp.where(mask, jnp.zeros_like(delta), delta)
    # unsqueeze(0).repeat(T, 1, 1)
    delta = jnp.broadcast_to(delta[None, ...], output.shape)
    return delta


def reference(output, target):
    # SpikeLoss.spike_count(output, target)
    delta = _loss_count_delta(output, target)
    return 0.5 * jnp.sum(delta ** 2)

if __name__ == "__main__":
    import jax
    _d = setup_inputs()
    print(jax.jit(kernel)(*tuple(_d.values())))

</pallas_src>

<mosaic_0001>
#map = affine_map<(d0, d1) -> (0, 0, 0)>
#map1 = affine_map<(d0, d1) -> (0, 0)>
module attributes {stable_mosaic.version = 14 : i64} {
  func.func @partials(%arg0: i32, %arg1: i32, %arg2: memref<16x4096x512xf32, #tpu.memory_space<hbm>>, %arg3: memref<4096x512xi32, #tpu.memory_space<hbm>>, %arg4: memref<32x16xf32, #tpu.memory_space<hbm>>, %arg5: memref<16x4x512xf32, #tpu.memory_space<vmem>>, %arg6: memref<16x4x512xf32, #tpu.memory_space<vmem>>, %arg7: memref<4x512xi32, #tpu.memory_space<vmem>>, %arg8: memref<4x512xi32, #tpu.memory_space<vmem>>, %arg9: memref<16xf32, #tpu.memory_space<vmem>>, %arg10: memref<!tpu.dma_semaphore, #tpu.memory_space<semaphore_mem>>, %arg11: memref<!tpu.dma_semaphore, #tpu.memory_space<semaphore_mem>>, %arg12: memref<!tpu.dma_semaphore, #tpu.memory_space<semaphore_mem>>, %arg13: memref<!tpu.dma_semaphore, #tpu.memory_space<semaphore_mem>>) attributes {dimension_semantics = [#tpu.dimension_semantics<core_parallel>, #tpu.dimension_semantics<subcore_parallel>], iteration_bounds = array<i64: 2, 16>, scalar_prefetch = 0 : i64, scratch_operands = 9 : i64, tpu.core_type = #tpu.core_type<sc_vector_subcore>, window_params = [{transform_indices = #map}, {transform_indices = #map1}, {transform_indices = #map1}]} {
    %mul3A = arith.constant 16 : i32
    %mul3A_0 = arith.muli %arg0, %mul3A : i32
    %add3A = arith.addi %mul3A_0, %arg1 : i32
    %mul3A_1 = arith.constant 16 : i32
    %mul3A_2 = arith.muli %add3A, %mul3A_1 : i32
    %add3A_3 = arith.constant 0 : i32
    %add3A_4 = arith.addi %mul3A_2, %add3A_3 : i32
    %dma_start3A = arith.constant 0 : i32
    %dma_start3A_5 = arith.constant 0 : i32
    %dma_start3A_6 = tpu.memref_slice %arg2[%dma_start3A, %add3A_4, %dma_start3A_5] : memref<16x4096x512xf32, #tpu.memory_space<hbm>> -> memref<16x4x512xf32, #tpu.memory_space<hbm>>
    %dma_start3A_7 = arith.constant 0 : i32
    %dma_start3A_8 = arith.constant 0 : i32
    %dma_start3A_9 = tpu.memref_slice %arg2[%dma_start3A_7, %add3A_4, %dma_start3A_8] : memref<16x4096x512xf32, #tpu.memory_space<hbm>> -> memref<16x4x512xf32, #tpu.memory_space<hbm>>
    tpu.enqueue_dma source(%dma_start3A_9 : memref<16x4x512xf32, #tpu.memory_space<hbm>>) target(%arg5 : memref<16x4x512xf32, #tpu.memory_space<vmem>>) target_semaphore(%arg10 : memref<!tpu.dma_semaphore, #tpu.memory_space<semaphore_mem>>)
    %dma_start3A_10 = arith.constant 0 : i32
    %dma_start3A_11 = tpu.memref_slice %arg3[%add3A_4, %dma_start3A_10] : memref<4096x512xi32, #tpu.memory_space<hbm>> -> memref<4x512xi32, #tpu.memory_space<hbm>>
    %dma_start3A_12 = arith.constant 0 : i32
    %dma_start3A_13 = tpu.memref_slice %arg3[%add3A_4, %dma_start3A_12] : memref<4096x512xi32, #tpu.memory_space<hbm>> -> memref<4x512xi32, #tpu.memory_space<hbm>>
    tpu.enqueue_dma source(%dma_start3A_13 : memref<4x512xi32, #tpu.memory_space<hbm>>) target(%arg7 : memref<4x512xi32, #tpu.memory_space<vmem>>) target_semaphore(%arg12 : memref<!tpu.dma_semaphore, #tpu.memory_space<semaphore_mem>>)
    %broadcast_in_dim3A = arith.constant 0.000000e+00 : f32
    %broadcast_in_dim3A_14 = vector.broadcast %broadcast_in_dim3A : f32 to vector<16xf32>
    %scan3A = arith.constant 0 : i32
    %scan3A_15 = arith.constant 2 : i32
    %scan3A_16 = arith.addi %scan3A, %scan3A_15 : i32
    %scan3A_17 = arith.constant 1 : i32
    %scan3A_18 = scf.for %scan3A_23 = %scan3A to %scan3A_16 step %scan3A_17 iter_args(%scan3A_24 = %broadcast_in_dim3A_14) -> (vector<16xf32>)  : i32 {
      %mul3A_25 = arith.constant 2 : i32
      %mul3A_26 = arith.muli %mul3A_25, %scan3A_23 : i32
      %add3A_27 = arith.constant 1 : i32
      %add3A_28 = arith.addi %mul3A_26, %add3A_27 : i32
      %mul3A_29 = arith.constant 4 : i32
      %mul3A_30 = arith.muli %add3A_28, %mul3A_29 : i32
      %add3A_31 = arith.addi %mul3A_2, %mul3A_30 : i32
      %dma_start3A_32 = arith.constant 0 : i32
      %dma_start3A_33 = arith.constant 0 : i32
      %dma_start3A_34 = tpu.memref_slice %arg2[%dma_start3A_32, %add3A_31, %dma_start3A_33] : memref<16x4096x512xf32, #tpu.memory_space<hbm>> -> memref<16x4x512xf32, #tpu.memory_space<hbm>>
      %dma_start3A_35 = arith.constant 0 : i32
      %dma_start3A_36 = arith.constant 0 : i32
      %dma_start3A_37 = tpu.memref_slice %arg2[%dma_start3A_35, %add3A_31, %dma_start3A_36] : memref<16x4096x512xf32, #tpu.memory_space<hbm>> -> memref<16x4x512xf32, #tpu.memory_space<hbm>>
      tpu.enqueue_dma source(%dma_start3A_37 : memref<16x4x512xf32, #tpu.memory_space<hbm>>) target(%arg6 : memref<16x4x512xf32, #tpu.memory_space<vmem>>) target_semaphore(%arg11 : memref<!tpu.dma_semaphore, #tpu.memory_space<semaphore_mem>>)
      %dma_start3A_38 = arith.constant 0 : i32
      %dma_start3A_39 = tpu.memref_slice %arg3[%add3A_31, %dma_start3A_38] : memref<4096x512xi32, #tpu.memory_space<hbm>> -> memref<4x512xi32, #tpu.memory_space<hbm>>
      %dma_start3A_40 = arith.constant 0 : i32
      %dma_start3A_41 = tpu.memref_slice %arg3[%add3A_31, %dma_start3A_40] : memref<4096x512xi32, #tpu.memory_space<hbm>> -> memref<4x512xi32, #tpu.memory_space<hbm>>
      tpu.enqueue_dma source(%dma_start3A_41 : memref<4x512xi32, #tpu.memory_space<hbm>>) target(%arg8 : memref<4x512xi32, #tpu.memory_space<vmem>>) target_semaphore(%arg13 : memref<!tpu.dma_semaphore, #tpu.memory_space<semaphore_mem>>)
      %dma_wait3A = arith.constant 0 : i32
      %dma_wait3A_42 = arith.constant 0 : i32
      %dma_wait3A_43 = tpu.memref_slice %arg2[%dma_wait3A, %mul3A_2, %dma_wait3A_42] : memref<16x4096x512xf32, #tpu.memory_space<hbm>> -> memref<16x4x512xf32, #tpu.memory_space<hbm>>
      %dma_wait3A_44 = arith.constant 0 : i32
      %dma_wait3A_45 = arith.constant 0 : i32
      %dma_wait3A_46 = tpu.memref_slice %arg2[%dma_wait3A_44, %mul3A_2, %dma_wait3A_45] : memref<16x4096x512xf32, #tpu.memory_space<hbm>> -> memref<16x4x512xf32, #tpu.memory_space<hbm>>
      tpu.wait_dma2 semaphore(%arg10 : memref<!tpu.dma_semaphore, #tpu.memory_space<semaphore_mem>>) src(%dma_wait3A_46 : memref<16x4x512xf32, #tpu.memory_space<hbm>>) dst(%arg5 : memref<16x4x512xf32, #tpu.memory_space<vmem>>)
      %dma_wait3A_47 = arith.constant 0 : i32
      %dma_wait3A_48 = tpu.memref_slice %arg3[%mul3A_2, %dma_wait3A_47] : memref<4096x512xi32, #tpu.memory_space<hbm>> -> memref<4x512xi32, #tpu.memory_space<hbm>>
      %dma_wait3A_49 = arith.constant 0 : i32
      %dma_wait3A_50 = tpu.memref_slice %arg3[%mul3A_2, %dma_wait3A_49] : memref<4096x512xi32, #tpu.memory_space<hbm>> -> memref<4x512xi32, #tpu.memory_space<hbm>>
      tpu.wait_dma2 semaphore(%arg12 : memref<!tpu.dma_semaphore, #tpu.memory_space<semaphore_mem>>) src(%dma_wait3A_50 : memref<4x512xi32, #tpu.memory_space<hbm>>) dst(%arg7 : memref<4x512xi32, #tpu.memory_space<vmem>>)
      %scan3A_51 = arith.constant 0 : i32
      %scan3A_52 = arith.constant 4 : i32
      %scan3A_53 = arith.addi %scan3A_51, %scan3A_52 : i32
      %scan3A_54 = arith.constant 1 : i32
      %scan3A_55 = scf.for %scan3A_77 = %scan3A_51 to %scan3A_53 step %scan3A_54 iter_args(%scan3A_78 = %scan3A_24) -> (vector<16xf32>)  : i32 {
        %scan3A_79 = arith.constant 0 : i32
        %scan3A_80 = arith.constant 32 : i32
        %scan3A_81 = arith.addi %scan3A_79, %scan3A_80 : i32
        %scan3A_82 = arith.constant 1 : i32
        %scan3A_83 = scf.for %scan3A_85 = %scan3A_79 to %scan3A_81 step %scan3A_82 iter_args(%scan3A_86 = %scan3A_78) -> (vector<16xf32>)  : i32 {
          %mul3A_87 = arith.constant 16 : i32
          %mul3A_88 = arith.muli %scan3A_85, %mul3A_87 : i32
          %get3A = arith.constant 0 : i32
          %get3A_89 = arith.index_cast %get3A : i32 to index
          %get3A_90 = arith.index_cast %scan3A_77 : i32 to index
          %get3A_91 = arith.index_cast %mul3A_88 : i32 to index
          %get3A_92 = tpu.vector_load %arg5[%get3A_89, %get3A_90, %get3A_91] {strides = array<i32>} : memref<16x4x512xf32, #tpu.memory_space<vmem>>, vector<1x1x16xf32>,
          %get3A_93 = vector.shape_cast %get3A_92 : vector<1x1x16xf32> to vector<16xf32>
          %get3A_94 = arith.constant 1 : i32
          %get3A_95 = arith.index_cast %get3A_94 : i32 to index
          %get3A_96 = arith.index_cast %scan3A_77 : i32 to index
          %get3A_97 = arith.index_cast %mul3A_88 : i32 to index
          %get3A_98 = tpu.vector_load %arg5[%get3A_95, %get3A_96, %get3A_97] {strides = array<i32>} : memref<16x4x512xf32, #tpu.memory_space<vmem>>, vector<1x1x16xf32>,
          %get3A_99 = vector.shape_cast %get3A_98 : vector<1x1x16xf32> to vector<16xf32>
          %add3A_100 = arith.addf %get3A_93, %get3A_99 : vector<16xf32>
          %get3A_101 = arith.constant 2 : i32
          %get3A_102 = arith.index_cast %get3A_101 : i32 to index
          %get3A_103 = arith.index_cast %scan3A_77 : i32 to index
          %get3A_104 = arith.index_cast %mul3A_88 : i32 to index
          %get3A_105 = tpu.vector_load %arg5[%get3A_102, %get3A_103, %get3A_104] {strides = array<i32>} : memref<16x4x512xf32, #tpu.memory_space<vmem>>, vector<1x1x16xf32>,
          %get3A_106 = vector.shape_cast %get3A_105 : vector<1x1x16xf32> to vector<16xf32>
          %add3A_107 = arith.addf %add3A_100, %get3A_106 : vector<16xf32>
          %get3A_108 = arith.constant 3 : i32
          %get3A_109 = arith.index_cast %get3A_108 : i32 to index
          %get3A_110 = arith.index_cast %scan3A_77 : i32 to index
          %get3A_111 = arith.index_cast %mul3A_88 : i32 to index
          %get3A_112 = tpu.vector_load %arg5[%get3A_109, %get3A_110, %get3A_111] {strides = array<i32>} : memref<16x4x512xf32, #tpu.memory_space<vmem>>, vector<1x1x16xf32>,
          %get3A_113 = vector.shape_cast %get3A_112 : vector<1x1x16xf32> to vector<16xf32>
          %add3A_114 = arith.addf %add3A_107, %get3A_113 : vector<16xf32>
          %get3A_115 = arith.constant 4 : i32
          %get3A_116 = arith.index_cast %get3A_115 : i32 to index
          %get3A_117 = arith.index_cast %scan3A_77 : i32 to index
          %get3A_118 = arith.index_cast %mul3A_88 : i32 to index
          %get3A_119 = tpu.vector_load %arg5[%get3A_116, %get3A_117, %get3A_118] {strides = array<i32>} : memref<16x4x512xf32, #tpu.memory_space<vmem>>, vector<1x1x16xf32>,
          %get3A_120 = vector.shape_cast %get3A_119 : vector<1x1x16xf32> to vector<16xf32>
          %add3A_121 = arith.addf %add3A_114, %get3A_120 : vector<16xf32>
          %get3A_122 = arith.constant 5 : i32
          %get3A_123 = arith.index_cast %get3A_122 : i32 to index
          %get3A_124 = arith.index_cast %scan3A_77 : i32 to index
          %get3A_125 = arith.index_cast %mul3A_88 : i32 to index
          %get3A_126 = tpu.vector_load %arg5[%get3A_123, %get3A_124, %get3A_125] {strides = array<i32>} : memref<16x4x512xf32, #tpu.memory_space<vmem>>, vector<1x1x16xf32>,
          %get3A_127 = vector.shape_cast %get3A_126 : vector<1x1x16xf32> to vector<16xf32>
          %add3A_128 = arith.addf %add3A_121, %get3A_127 : vector<16xf32>
          %get3A_129 = arith.constant 6 : i32
          %get3A_130 = arith.index_cast %get3A_129 : i32 to index
          %get3A_131 = arith.index_cast %scan3A_77 : i32 to index
          %get3A_132 = arith.index_cast %mul3A_88 : i32 to index
          %get3A_133 = tpu.vector_load %arg5[%get3A_130, %get3A_131, %get3A_132] {strides = array<i32>} : memref<16x4x512xf32, #tpu.memory_space<vmem>>, vector<1x1x16xf32>,
          %get3A_134 = vector.shape_cast %get3A_133 : vector<1x1x16xf32> to vector<16xf32>
          %add3A_135 = arith.addf %add3A_128, %get3A_134 : vector<16xf32>
          %get3A_136 = arith.constant 7 : i32
          %get3A_137 = arith.index_cast %get3A_136 : i32 to index
          %get3A_138 = arith.index_cast %scan3A_77 : i32 to index
          %get3A_139 = arith.index_cast %mul3A_88 : i32 to index
          %get3A_140 = tpu.vector_load %arg5[%get3A_137, %get3A_138, %get3A_139] {strides = array<i32>} : memref<16x4x512xf32, #tpu.memory_space<vmem>>, vector<1x1x16xf32>,
          %get3A_141 = vector.shape_cast %get3A_140 : vector<1x1x16xf32> to vector<16xf32>
          %add3A_142 = arith.addf %add3A_135, %get3A_141 : vector<16xf32>
          %get3A_143 = arith.constant 8 : i32
          %get3A_144 = arith.index_cast %get3A_143 : i32 to index
          %get3A_145 = arith.index_cast %scan3A_77 : i32 to index
          %get3A_146 = arith.index_cast %mul3A_88 : i32 to index
          %get3A_147 = tpu.vector_load %arg5[%get3A_144, %get3A_145, %get3A_146] {strides = array<i32>} : memref<16x4x512xf32, #tpu.memory_space<vmem>>, vector<1x1x16xf32>,
          %get3A_148 = vector.shape_cast %get3A_147 : vector<1x1x16xf32> to vector<16xf32>
          %add3A_149 = arith.addf %add3A_142, %get3A_148 : vector<16xf32>
          %get3A_150 = arith.constant 9 : i32
          %get3A_151 = arith.index_cast %get3A_150 : i32 to index
          %get3A_152 = arith.index_cast %scan3A_77 : i32 to index
          %get3A_153 = arith.index_cast %mul3A_88 : i32 to index
          %get3A_154 = tpu.vector_load %arg5[%get3A_151, %get3A_152, %get3A_153] {strides = array<i32>} : memref<16x4x512xf32, #tpu.memory_space<vmem>>, vector<1x1x16xf32>,
          %get3A_155 = vector.shape_cast %get3A_154 : vector<1x1x16xf32> to vector<16xf32>
          %add3A_156 = arith.addf %add3A_149, %get3A_155 : vector<16xf32>
          %get3A_157 = arith.constant 10 : i32
          %get3A_158 = arith.index_cast %get3A_157 : i32 to index
          %get3A_159 = arith.index_cast %scan3A_77 : i32 to index
          %get3A_160 = arith.index_cast %mul3A_88 : i32 to index
          %get3A_161 = tpu.vector_load %arg5[%get3A_158, %get3A_159, %get3A_160] {strides = array<i32>} : memref<16x4x512xf32, #tpu.memory_space<vmem>>, vector<1x1x16xf32>,
          %get3A_162 = vector.shape_cast %get3A_161 : vector<1x1x16xf32> to vector<16xf32>
          %add3A_163 = arith.addf %add3A_156, %get3A_162 : vector<16xf32>
          %get3A_164 = arith.constant 11 : i32
          %get3A_165 = arith.index_cast %get3A_164 : i32 to index
          %get3A_166 = arith.index_cast %scan3A_77 : i32 to index
          %get3A_167 = arith.index_cast %mul3A_88 : i32 to index
          %get3A_168 = tpu.vector_load %arg5[%get3A_165, %get3A_166, %get3A_167] {strides = array<i32>} : memref<16x4x512xf32, #tpu.memory_space<vmem>>, vector<1x1x16xf32>,
          %get3A_169 = vector.shape_cast %get3A_168 : vector<1x1x16xf32> to vector<16xf32>
          %add3A_170 = arith.addf %add3A_163, %get3A_169 : vector<16xf32>
          %get3A_171 = arith.constant 12 : i32
          %get3A_172 = arith.index_cast %get3A_171 : i32 to index
          %get3A_173 = arith.index_cast %scan3A_77 : i32 to index
          %get3A_174 = arith.index_cast %mul3A_88 : i32 to index
          %get3A_175 = tpu.vector_load %arg5[%get3A_172, %get3A_173, %get3A_174] {strides = array<i32>} : memref<16x4x512xf32, #tpu.memory_space<vmem>>, vector<1x1x16xf32>,
          %get3A_176 = vector.shape_cast %get3A_175 : vector<1x1x16xf32> to vector<16xf32>
          %add3A_177 = arith.addf %add3A_170, %get3A_176 : vector<16xf32>
          %get3A_178 = arith.constant 13 : i32
          %get3A_179 = arith.index_cast %get3A_178 : i32 to index
          %get3A_180 = arith.index_cast %scan3A_77 : i32 to index
          %get3A_181 = arith.index_cast %mul3A_88 : i32 to index
          %get3A_182 = tpu.vector_load %arg5[%get3A_179, %get3A_180, %get3A_181] {strides = array<i32>} : memref<16x4x512xf32, #tpu.memory_space<vmem>>, vector<1x1x16xf32>,
          %get3A_183 = vector.shape_cast %get3A_182 : vector<1x1x16xf32> to vector<16xf32>
          %add3A_184 = arith.addf %add3A_177, %get3A_183 : vector<16xf32>
          %get3A_185 = arith.constant 14 : i32
          %get3A_186 = arith.index_cast %get3A_185 : i32 to index
          %get3A_187 = arith.index_cast %scan3A_77 : i32 to index
          %get3A_188 = arith.index_cast %mul3A_88 : i32 to index
          %get3A_189 = tpu.vector_load %arg5[%get3A_186, %get3A_187, %get3A_188] {strides = array<i32>} : memref<16x4x512xf32, #tpu.memory_space<vmem>>, vector<1x1x16xf32>,
          %get3A_190 = vector.shape_cast %get3A_189 : vector<1x1x16xf32> to vector<16xf32>
          %add3A_191 = arith.addf %add3A_184, %get3A_190 : vector<16xf32>
          %get3A_192 = arith.constant 15 : i32
          %get3A_193 = arith.index_cast %get3A_192 : i32 to index
          %get3A_194 = arith.index_cast %scan3A_77 : i32 to index
          %get3A_195 = arith.index_cast %mul3A_88 : i32 to index
          %get3A_196 = tpu.vector_load %arg5[%get3A_193, %get3A_194, %get3A_195] {strides = array<i32>} : memref<16x4x512xf32, #tpu.memory_space<vmem>>, vector<1x1x16xf32>,
          %get3A_197 = vector.shape_cast %get3A_196 : vector<1x1x16xf32> to vector<16xf32>
          %add3A_198 = arith.addf %add3A_191, %get3A_197 : vector<16xf32>
          %get3A_199 = arith.index_cast %scan3A_77 : i32 to index
          %get3A_200 = arith.index_cast %mul3A_88 : i32 to index
          %get3A_201 = tpu.vector_load %arg7[%get3A_199, %get3A_200] {strides = array<i32>} : memref<4x512xi32, #tpu.memory_space<vmem>>, vector<1x16xi32>,
          %get3A_202 = vector.shape_cast %get3A_201 : vector<1x16xi32> to vector<16xi32>
          %convert_element_type3A_203 = arith.sitofp %get3A_202 : vector<16xi32> to vector<16xf32>
          %sub3A = arith.subf %add3A_198, %convert_element_type3A_203 : vector<16xf32>
          %mul3A_204 = arith.constant 6.250000e-02 : f32
          %mul3A_205 = vector.broadcast %mul3A_204 : f32 to vector<16xf32>
          %mul3A_206 = arith.mulf %sub3A, %mul3A_205 : vector<16xf32>
          %broadcast_in_dim3A_207 = arith.constant 0.000000e+00 : f32
          %broadcast_in_dim3A_208 = vector.broadcast %broadcast_in_dim3A_207 : f32 to vector<16xf32>
          %eq3A = arith.constant 5.000000e+00 : f32
          %eq3A_209 = vector.broadcast %eq3A : f32 to vector<16xf32>
          %eq3A_210 = arith.cmpf oeq, %convert_element_type3A_203, %eq3A_209 : vector<16xf32>
          %gt3A = arith.cmpf ogt, %mul3A_206, %broadcast_in_dim3A_208 : vector<16xf32>
          %and3A = arith.andi %eq3A_210, %gt3A : vector<16xi1>
          %eq3A_211 = arith.constant 0.000000e+00 : f32
          %eq3A_212 = vector.broadcast %eq3A_211 : f32 to vector<16xf32>
          %eq3A_213 = arith.cmpf oeq, %convert_element_type3A_203, %eq3A_212 : vector<16xf32>
          %lt3A_214 = arith.cmpf olt, %mul3A_206, %broadcast_in_dim3A_208 : vector<16xf32>
          %and3A_215 = arith.andi %eq3A_213, %lt3A_214 : vector<16xi1>
          %or3A = arith.ori %and3A, %and3A_215 : vector<16xi1>
          %select_n3A = arith.select %or3A, %broadcast_in_dim3A_208, %mul3A_206 : vector<16xi1>, vector<16xf32>
          %mul3A_216 = arith.mulf %select_n3A, %select_n3A : vector<16xf32>
          %add3A_217 = arith.addf %scan3A_86, %mul3A_216 : vector<16xf32>
          scf.yield %add3A_217 : vector<16xf32>
        }
        %scan3A_84 = arith.constant 32 : i32
        scf.yield %scan3A_83 : vector<16xf32>
      }
      %scan3A_56 = arith.constant 4 : i32
      %add3A_57 = arith.constant 2 : i32
      %add3A_58 = arith.addi %mul3A_26, %add3A_57 : i32
      %lt3A = arith.constant 4 : i32
      %lt3A_59 = arith.cmpi slt, %add3A_58, %lt3A : i32
      %convert_element_type3A = arith.extui %lt3A_59 : i1 to i32
      %cond3A = arith.constant 0 : i32
      %cond3A_60 = arith.cmpi ne, %convert_element_type3A, %cond3A : i32
      scf.if %cond3A_60 {
        %add3A_77 = arith.constant 2 : i32
        %add3A_78 = arith.addi %mul3A_26, %add3A_77 : i32
        %mul3A_79 = arith.constant 4 : i32
        %mul3A_80 = arith.muli %add3A_78, %mul3A_79 : i32
        %add3A_81 = arith.addi %mul3A_2, %mul3A_80 : i32
        %dma_start3A_82 = arith.constant 0 : i32
        %dma_start3A_83 = arith.constant 0 : i32
        %dma_start3A_84 = tpu.memref_slice %arg2[%dma_start3A_82, %add3A_81, %dma_start3A_83] : memref<16x4096x512xf32, #tpu.memory_space<hbm>> -> memref<16x4x512xf32, #tpu.memory_space<hbm>>
        %dma_start3A_85 = arith.constant 0 : i32
        %dma_start3A_86 = arith.constant 0 : i32
        %dma_start3A_87 = tpu.memref_slice %arg2[%dma_start3A_85, %add3A_81, %dma_start3A_86] : memref<16x4096x512xf32, #tpu.memory_space<hbm>> -> memref<16x4x512xf32, #tpu.memory_space<hbm>>
        tpu.enqueue_dma source(%dma_start3A_87 : memref<16x4x512xf32, #tpu.memory_space<hbm>>) target(%arg5 : memref<16x4x512xf32, #tpu.memory_space<vmem>>) target_semaphore(%arg10 : memref<!tpu.dma_semaphore, #tpu.memory_space<semaphore_mem>>)
        %dma_start3A_88 = arith.constant 0 : i32
        %dma_start3A_89 = tpu.memref_slice %arg3[%add3A_81, %dma_start3A_88] : memref<4096x512xi32, #tpu.memory_space<hbm>> -> memref<4x512xi32, #tpu.memory_space<hbm>>
        %dma_start3A_90 = arith.constant 0 : i32
        %dma_start3A_91 = tpu.memref_slice %arg3[%add3A_81, %dma_start3A_90] : memref<4096x512xi32, #tpu.memory_space<hbm>> -> memref<4x512xi32, #tpu.memory_space<hbm>>
        tpu.enqueue_dma source(%dma_start3A_91 : memref<4x512xi32, #tpu.memory_space<hbm>>) target(%arg7 : memref<4x512xi32, #tpu.memory_space<vmem>>) target_semaphore(%arg12 : memref<!tpu.dma_semaphore, #tpu.memory_space<semaphore_mem>>)
      } else {
      }
      %dma_wait3A_61 = arith.constant 0 : i32
      %dma_wait3A_62 = arith.constant 0 : i32
      %dma_wait3A_63 = tpu.memref_slice %arg2[%dma_wait3A_61, %mul3A_2, %dma_wait3A_62] : memref<16x4096x512xf32, #tpu.memory_space<hbm>> -> memref<16x4x512xf32, #tpu.memory_space<hbm>>
      %dma_wait3A_64 = arith.constant 0 : i32
      %dma_wait3A_65 = arith.constant 0 : i32
      %dma_wait3A_66 = tpu.memref_slice %arg2[%dma_wait3A_64, %mul3A_2, %dma_wait3A_65] : memref<16x4096x512xf32, #tpu.memory_space<hbm>> -> memref<16x4x512xf32, #tpu.memory_space<hbm>>
      tpu.wait_dma2 semaphore(%arg11 : memref<!tpu.dma_semaphore, #tpu.memory_space<semaphore_mem>>) src(%dma_wait3A_66 : memref<16x4x512xf32, #tpu.memory_space<hbm>>) dst(%arg6 : memref<16x4x512xf32, #tpu.memory_space<vmem>>)
      %dma_wait3A_67 = arith.constant 0 : i32
      %dma_wait3A_68 = tpu.memref_slice %arg3[%mul3A_2, %dma_wait3A_67] : memref<4096x512xi32, #tpu.memory_space<hbm>> -> memref<4x512xi32, #tpu.memory_space<hbm>>
      %dma_wait3A_69 = arith.constant 0 : i32
      %dma_wait3A_70 = tpu.memref_slice %arg3[%mul3A_2, %dma_wait3A_69] : memref<4096x512xi32, #tpu.memory_space<hbm>> -> memref<4x512xi32, #tpu.memory_space<hbm>>
      tpu.wait_dma2 semaphore(%arg13 : memref<!tpu.dma_semaphore, #tpu.memory_space<semaphore_mem>>) src(%dma_wait3A_70 : memref<4x512xi32, #tpu.memory_space<hbm>>) dst(%arg8 : memref<4x512xi32, #tpu.memory_space<vmem>>)
      %scan3A_71 = arith.constant 0 : i32
      %scan3A_72 = arith.constant 4 : i32
      %scan3A_73 = arith.addi %scan3A_71, %scan3A_72 : i32
      %scan3A_74 = arith.constant 1 : i32
      %scan3A_75 = scf.for %scan3A_77 = %scan3A_71 to %scan3A_73 step %scan3A_74 iter_args(%scan3A_78 = %scan3A_55) -> (vector<16xf32>)  : i32 {
        %scan3A_79 = arith.constant 0 : i32
        %scan3A_80 = arith.constant 32 : i32
        %scan3A_81 = arith.addi %scan3A_79, %scan3A_80 : i32
        %scan3A_82 = arith.constant 1 : i32
        %scan3A_83 = scf.for %scan3A_85 = %scan3A_79 to %scan3A_81 step %scan3A_82 iter_args(%scan3A_86 = %scan3A_78) -> (vector<16xf32>)  : i32 {
          %mul3A_87 = arith.constant 16 : i32
          %mul3A_88 = arith.muli %scan3A_85, %mul3A_87 : i32
          %get3A = arith.constant 0 : i32
          %get3A_89 = arith.index_cast %get3A : i32 to index
          %get3A_90 = arith.index_cast %scan3A_77 : i32 to index
          %get3A_91 = arith.index_cast %mul3A_88 : i32 to index
          %get3A_92 = tpu.vector_load %arg6[%get3A_89, %get3A_90, %get3A_91] {strides = array<i32>} : memref<16x4x512xf32, #tpu.memory_space<vmem>>, vector<1x1x16xf32>,
          %get3A_93 = vector.shape_cast %get3A_92 : vector<1x1x16xf32> to vector<16xf32>
          %get3A_94 = arith.constant 1 : i32
          %get3A_95 = arith.index_cast %get3A_94 : i32 to index
          %get3A_96 = arith.index_cast %scan3A_77 : i32 to index
          %get3A_97 = arith.index_cast %mul3A_88 : i32 to index
          %get3A_98 = tpu.vector_load %arg6[%get3A_95, %get3A_96, %get3A_97] {strides = array<i32>} : memref<16x4x512xf32, #tpu.memory_space<vmem>>, vector<1x1x16xf32>,
          %get3A_99 = vector.shape_cast %get3A_98 : vector<1x1x16xf32> to vector<16xf32>
          %add3A_100 = arith.addf %get3A_93, %get3A_99 : vector<16xf32>
          %get3A_101 = arith.constant 2 : i32
          %get3A_102 = arith.index_cast %get3A_101 : i32 to index
          %get3A_103 = arith.index_cast %scan3A_77 : i32 to index
          %get3A_104 = arith.index_cast %mul3A_88 : i32 to index
          %get3A_105 = tpu.vector_load %arg6[%get3A_102, %get3A_103, %get3A_104] {strides = array<i32>} : memref<16x4x512xf32, #tpu.memory_space<vmem>>, vector<1x1x16xf32>,
          %get3A_106 = vector.shape_cast %get3A_105 : vector<1x1x16xf32> to vector<16xf32>
          %add3A_107 = arith.addf %add3A_100, %get3A_106 : vector<16xf32>
          %get3A_108 = arith.constant 3 : i32
          %get3A_109 = arith.index_cast %get3A_108 : i32 to index
          %get3A_110 = arith.index_cast %scan3A_77 : i32 to index
          %get3A_111 = arith.index_cast %mul3A_88 : i32 to index
          %get3A_112 = tpu.vector_load %arg6[%get3A_109, %get3A_110, %get3A_111] {strides = array<i32>} : memref<16x4x512xf32, #tpu.memory_space<vmem>>, vector<1x1x16xf32>,
          %get3A_113 = vector.shape_cast %get3A_112 : vector<1x1x16xf32> to vector<16xf32>
          %add3A_114 = arith.addf %add3A_107, %get3A_113 : vector<16xf32>
          %get3A_115 = arith.constant 4 : i32
          %get3A_116 = arith.index_cast %get3A_115 : i32 to index
          %get3A_117 = arith.index_cast %scan3A_77 : i32 to index
          %get3A_118 = arith.index_cast %mul3A_88 : i32 to index
          %get3A_119 = tpu.vector_load %arg6[%get3A_116, %get3A_117, %get3A_118] {strides = array<i32>} : memref<16x4x512xf32, #tpu.memory_space<vmem>>, vector<1x1x16xf32>,
          %get3A_120 = vector.shape_cast %get3A_119 : vector<1x1x16xf32> to vector<16xf32>
          %add3A_121 = arith.addf %add3A_114, %get3A_120 : vector<16xf32>
          %get3A_122 = arith.constant 5 : i32
          %get3A_123 = arith.index_cast %get3A_122 : i32 to index
          %get3A_124 = arith.index_cast %scan3A_77 : i32 to index
          %get3A_125 = arith.index_cast %mul3A_88 : i32 to index
          %get3A_126 = tpu.vector_load %arg6[%get3A_123, %get3A_124, %get3A_125] {strides = array<i32>} : memref<16x4x512xf32, #tpu.memory_space<vmem>>, vector<1x1x16xf32>,
          %get3A_127 = vector.shape_cast %get3A_126 : vector<1x1x16xf32> to vector<16xf32>
          %add3A_128 = arith.addf %add3A_121, %get3A_127 : vector<16xf32>
          %get3A_129 = arith.constant 6 : i32
          %get3A_130 = arith.index_cast %get3A_129 : i32 to index
          %get3A_131 = arith.index_cast %scan3A_77 : i32 to index
          %get3A_132 = arith.index_cast %mul3A_88 : i32 to index
          %get3A_133 = tpu.vector_load %arg6[%get3A_130, %get3A_131, %get3A_132] {strides = array<i32>} : memref<16x4x512xf32, #tpu.memory_space<vmem>>, vector<1x1x16xf32>,
          %get3A_134 = vector.shape_cast %get3A_133 : vector<1x1x16xf32> to vector<16xf32>
          %add3A_135 = arith.addf %add3A_128, %get3A_134 : vector<16xf32>
          %get3A_136 = arith.constant 7 : i32
          %get3A_137 = arith.index_cast %get3A_136 : i32 to index
          %get3A_138 = arith.index_cast %scan3A_77 : i32 to index
          %get3A_139 = arith.index_cast %mul3A_88 : i32 to index
          %get3A_140 = tpu.vector_load %arg6[%get3A_137, %get3A_138, %get3A_139] {strides = array<i32>} : memref<16x4x512xf32, #tpu.memory_space<vmem>>, vector<1x1x16xf32>,
          %get3A_141 = vector.shape_cast %get3A_140 : vector<1x1x16xf32> to vector<16xf32>
          %add3A_142 = arith.addf %add3A_135, %get3A_141 : vector<16xf32>
          %get3A_143 = arith.constant 8 : i32
          %get3A_144 = arith.index_cast %get3A_143 : i32 to index
          %get3A_145 = arith.index_cast %scan3A_77 : i32 to index
          %get3A_146 = arith.index_cast %mul3A_88 : i32 to index
          %get3A_147 = tpu.vector_load %arg6[%get3A_144, %get3A_145, %get3A_146] {strides = array<i32>} : memref<16x4x512xf32, #tpu.memory_space<vmem>>, vector<1x1x16xf32>,
          %get3A_148 = vector.shape_cast %get3A_147 : vector<1x1x16xf32> to vector<16xf32>
          %add3A_149 = arith.addf %add3A_142, %get3A_148 : vector<16xf32>
          %get3A_150 = arith.constant 9 : i32
          %get3A_151 = arith.index_cast %get3A_150 : i32 to index
          %get3A_152 = arith.index_cast %scan3A_77 : i32 to index
          %get3A_153 = arith.index_cast %mul3A_88 : i32 to index
          %get3A_154 = tpu.vector_load %arg6[%get3A_151, %get3A_152, %get3A_153] {strides = array<i32>} : memref<16x4x512xf32, #tpu.memory_space<vmem>>, vector<1x1x16xf32>,
          %get3A_155 = vector.shape_cast %get3A_154 : vector<1x1x16xf32> to vector<16xf32>
          %add3A_156 = arith.addf %add3A_149, %get3A_155 : vector<16xf32>
          %get3A_157 = arith.constant 10 : i32
          %get3A_158 = arith.index_cast %get3A_157 : i32 to index
          %get3A_159 = arith.index_cast %scan3A_77 : i32 to index
          %get3A_160 = arith.index_cast %mul3A_88 : i32 to index
          %get3A_161 = tpu.vector_load %arg6[%get3A_158, %get3A_159, %get3A_160] {strides = array<i32>} : memref<16x4x512xf32, #tpu.memory_space<vmem>>, vector<1x1x16xf32>,
          %get3A_162 = vector.shape_cast %get3A_161 : vector<1x1x16xf32> to vector<16xf32>
          %add3A_163 = arith.addf %add3A_156, %get3A_162 : vector<16xf32>
          %get3A_164 = arith.constant 11 : i32
          %get3A_165 = arith.index_cast %get3A_164 : i32 to index
          %get3A_166 = arith.index_cast %scan3A_77 : i32 to index
          %get3A_167 = arith.index_cast %mul3A_88 : i32 to index
          %get3A_168 = tpu.vector_load %arg6[%get3A_165, %get3A_166, %get3A_167] {strides = array<i32>} : memref<16x4x512xf32, #tpu.memory_space<vmem>>, vector<1x1x16xf32>,
          %get3A_169 = vector.shape_cast %get3A_168 : vector<1x1x16xf32> to vector<16xf32>
          %add3A_170 = arith.addf %add3A_163, %get3A_169 : vector<16xf32>
          %get3A_171 = arith.constant 12 : i32
          %get3A_172 = arith.index_cast %get3A_171 : i32 to index
          %get3A_173 = arith.index_cast %scan3A_77 : i32 to index
          %get3A_174 = arith.index_cast %mul3A_88 : i32 to index
          %get3A_175 = tpu.vector_load %arg6[%get3A_172, %get3A_173, %get3A_174] {strides = array<i32>} : memref<16x4x512xf32, #tpu.memory_space<vmem>>, vector<1x1x16xf32>,
          %get3A_176 = vector.shape_cast %get3A_175 : vector<1x1x16xf32> to vector<16xf32>
          %add3A_177 = arith.addf %add3A_170, %get3A_176 : vector<16xf32>
          %get3A_178 = arith.constant 13 : i32
          %get3A_179 = arith.index_cast %get3A_178 : i32 to index
          %get3A_180 = arith.index_cast %scan3A_77 : i32 to index
          %get3A_181 = arith.index_cast %mul3A_88 : i32 to index
          %get3A_182 = tpu.vector_load %arg6[%get3A_179, %get3A_180, %get3A_181] {strides = array<i32>} : memref<16x4x512xf32, #tpu.memory_space<vmem>>, vector<1x1x16xf32>,
          %get3A_183 = vector.shape_cast %get3A_182 : vector<1x1x16xf32> to vector<16xf32>
          %add3A_184 = arith.addf %add3A_177, %get3A_183 : vector<16xf32>
          %get3A_185 = arith.constant 14 : i32
          %get3A_186 = arith.index_cast %get3A_185 : i32 to index
          %get3A_187 = arith.index_cast %scan3A_77 : i32 to index
          %get3A_188 = arith.index_cast %mul3A_88 : i32 to index
          %get3A_189 = tpu.vector_load %arg6[%get3A_186, %get3A_187, %get3A_188] {strides = array<i32>} : memref<16x4x512xf32, #tpu.memory_space<vmem>>, vector<1x1x16xf32>,
          %get3A_190 = vector.shape_cast %get3A_189 : vector<1x1x16xf32> to vector<16xf32>
          %add3A_191 = arith.addf %add3A_184, %get3A_190 : vector<16xf32>
          %get3A_192 = arith.constant 15 : i32
          %get3A_193 = arith.index_cast %get3A_192 : i32 to index
          %get3A_194 = arith.index_cast %scan3A_77 : i32 to index
          %get3A_195 = arith.index_cast %mul3A_88 : i32 to index
          %get3A_196 = tpu.vector_load %arg6[%get3A_193, %get3A_194, %get3A_195] {strides = array<i32>} : memref<16x4x512xf32, #tpu.memory_space<vmem>>, vector<1x1x16xf32>,
          %get3A_197 = vector.shape_cast %get3A_196 : vector<1x1x16xf32> to vector<16xf32>
          %add3A_198 = arith.addf %add3A_191, %get3A_197 : vector<16xf32>
          %get3A_199 = arith.index_cast %scan3A_77 : i32 to index
          %get3A_200 = arith.index_cast %mul3A_88 : i32 to index
          %get3A_201 = tpu.vector_load %arg8[%get3A_199, %get3A_200] {strides = array<i32>} : memref<4x512xi32, #tpu.memory_space<vmem>>, vector<1x16xi32>,
          %get3A_202 = vector.shape_cast %get3A_201 : vector<1x16xi32> to vector<16xi32>
          %convert_element_type3A_203 = arith.sitofp %get3A_202 : vector<16xi32> to vector<16xf32>
          %sub3A = arith.subf %add3A_198, %convert_element_type3A_203 : vector<16xf32>
          %mul3A_204 = arith.constant 6.250000e-02 : f32
          %mul3A_205 = vector.broadcast %mul3A_204 : f32 to vector<16xf32>
          %mul3A_206 = arith.mulf %sub3A, %mul3A_205 : vector<16xf32>
          %broadcast_in_dim3A_207 = arith.constant 0.000000e+00 : f32
          %broadcast_in_dim3A_208 = vector.broadcast %broadcast_in_dim3A_207 : f32 to vector<16xf32>
          %eq3A = arith.constant 5.000000e+00 : f32
          %eq3A_209 = vector.broadcast %eq3A : f32 to vector<16xf32>
          %eq3A_210 = arith.cmpf oeq, %convert_element_type3A_203, %eq3A_209 : vector<16xf32>
          %gt3A = arith.cmpf ogt, %mul3A_206, %broadcast_in_dim3A_208 : vector<16xf32>
          %and3A = arith.andi %eq3A_210, %gt3A : vector<16xi1>
          %eq3A_211 = arith.constant 0.000000e+00 : f32
          %eq3A_212 = vector.broadcast %eq3A_211 : f32 to vector<16xf32>
          %eq3A_213 = arith.cmpf oeq, %convert_element_type3A_203, %eq3A_212 : vector<16xf32>
          %lt3A_214 = arith.cmpf olt, %mul3A_206, %broadcast_in_dim3A_208 : vector<16xf32>
          %and3A_215 = arith.andi %eq3A_213, %lt3A_214 : vector<16xi1>
          %or3A = arith.ori %and3A, %and3A_215 : vector<16xi1>
          %select_n3A = arith.select %or3A, %broadcast_in_dim3A_208, %mul3A_206 : vector<16xi1>, vector<16xf32>
          %mul3A_216 = arith.mulf %select_n3A, %select_n3A : vector<16xf32>
          %add3A_217 = arith.addf %scan3A_86, %mul3A_216 : vector<16xf32>
          scf.yield %add3A_217 : vector<16xf32>
        }
        %scan3A_84 = arith.constant 32 : i32
        scf.yield %scan3A_83 : vector<16xf32>
      }
      %scan3A_76 = arith.constant 4 : i32
      scf.yield %scan3A_75 : vector<16xf32>
    }
    %scan3A_19 = arith.constant 2 : i32
    %swap3A = arith.constant 0 : index
    %swap3A_20 = tpu.vector_load %arg9[%swap3A] {strides = array<i32>} : memref<16xf32, #tpu.memory_space<vmem>>, vector<16xf32>,
    %swap3A_21 = vector.shape_cast %swap3A_20 : vector<16xf32> to vector<16xf32>
    %swap3A_22 = vector.shape_cast %scan3A_18 : vector<16xf32> to vector<16xf32>
    tpu.vector_store %arg9[%swap3A], %swap3A_22 {strides = array<i32>} : memref<16xf32, #tpu.memory_space<vmem>>, vector<16xf32>,
    "tpu.region"() ({
      %run_scoped3A = tpu.sem_alloc : memref<!tpu.dma_semaphore, #tpu.memory_space<semaphore_mem>>
      %dma_start3A_23 = arith.constant 0 : i32
      %dma_start3A_24 = tpu.memref_slice %arg4[%add3A, %dma_start3A_23] : memref<32x16xf32, #tpu.memory_space<hbm>> -> memref<1x16xf32, #tpu.memory_space<hbm>>
      %dma_start3A_25 = tpu.memref_squeeze %dma_start3A_24 : memref<1x16xf32, #tpu.memory_space<hbm>> -> memref<16xf32, #tpu.memory_space<hbm>>
      %dma_start3A_26 = arith.constant 0 : i32
      %dma_start3A_27 = tpu.memref_slice %arg4[%add3A, %dma_start3A_26] : memref<32x16xf32, #tpu.memory_space<hbm>> -> memref<1x16xf32, #tpu.memory_space<hbm>>
      %dma_start3A_28 = tpu.memref_squeeze %dma_start3A_27 : memref<1x16xf32, #tpu.memory_space<hbm>> -> memref<16xf32, #tpu.memory_space<hbm>>
      tpu.enqueue_dma source(%arg9 : memref<16xf32, #tpu.memory_space<vmem>>) target(%dma_start3A_28 : memref<16xf32, #tpu.memory_space<hbm>>) target_semaphore(%run_scoped3A : memref<!tpu.dma_semaphore, #tpu.memory_space<semaphore_mem>>)
      %dma_wait3A = arith.constant 0 : i32
      %dma_wait3A_29 = tpu.memref_slice %arg4[%add3A, %dma_wait3A] : memref<32x16xf32, #tpu.memory_space<hbm>> -> memref<1x16xf32, #tpu.memory_space<hbm>>
      %dma_wait3A_30 = tpu.memref_squeeze %dma_wait3A_29 : memref<1x16xf32, #tpu.memory_space<hbm>> -> memref<16xf32, #tpu.memory_space<hbm>>
      %dma_wait3A_31 = arith.constant 0 : i32
      %dma_wait3A_32 = tpu.memref_slice %arg4[%add3A, %dma_wait3A_31] : memref<32x16xf32, #tpu.memory_space<hbm>> -> memref<1x16xf32, #tpu.memory_space<hbm>>
      %dma_wait3A_33 = tpu.memref_squeeze %dma_wait3A_32 : memref<1x16xf32, #tpu.memory_space<hbm>> -> memref<16xf32, #tpu.memory_space<hbm>>
      tpu.wait_dma2 semaphore(%run_scoped3A : memref<!tpu.dma_semaphore, #tpu.memory_space<semaphore_mem>>) src(%arg9 : memref<16xf32, #tpu.memory_space<vmem>>) dst(%dma_wait3A_33 : memref<16xf32, #tpu.memory_space<hbm>>)
      tpu.yield
    }) : () -> ()
    return
  }
}

</mosaic_0001>

<sc_bundles>
// kernel: _sc_partials.3.cloned.1.call-start
scs
__scs_entry_jumppad:
0x0: {  	(pc) =	sbr.rel $0x88, $3  }
0x1: {  	(tag) =	ssettag $0x0;
	lr =	simm.s32 $0x1  }
0x2: {  	[smem:$0x3F9F] =	sst lr;
	_ =	strace $0xD0000000  }
0x3: {  	_ = 	snop  }
0x4: {  	_ = 	snop  }
0x5: {  	_ = 	snop  }
0x6: {  	_ = 	snop  }
0x7: {  	_ = 	snop  }
__scs_overlays_trampoline_lowered:
0x8: {  	[smem:$0x3FAE] =	sst s0  }
0x9: {  	[smem:$0x3FAF] =	sst s1  }
0xa: {  	[smem:$0x3FB0] =	sst s2  }
0xb: {  	[smem:$0x3FB1] =	sst s3  }
0xc: {  	[smem:$0x3FB2] =	sst s4  }
0xd: {  	[smem:$0x3FB3] =	sst s5  }
0xe: {  	[smem:$0x3FB4] =	sst s6  }
0xf: {  	[smem:$0x3FB5] =	sst s7  }
0x10: {  	[smem:$0x3FB6] =	sst s8  }
0x11: {  	[smem:$0x3FB7] =	sst s9;
	s0 =	simm.s32 @!p0 $0x0  }
0x12: {  	s1 =	sld [smem:$0x3F9D];
	s0 =	simm.s32 @p0 $0x1  }
0x13: {  	[smem:$0x3FB8] =	sst s0;
	s0 =	simm.s32 @!p1 $0x0  }
0x14: {  	s2 =	sld [smem:$0x3F9C];
	s0 =	simm.s32 @p1 $0x1  }
0x15: {  	[smem:$0x3FB9] =	sst s0;
	s0 =	simm.s32 @!p2 $0x0  }
0x16: {  	s3 =	sld [smem:$0x3FDB];
	s0 =	simm.s32 @p2 $0x1  }
0x17: {  	s4 =	simm.s32 $0x1BF5;
	[smem:$0x3FBB] =	sst s0  }
0x18: {  	s0 =	sld [smem:$0x3F9E];
	_ =	swait.ge [sflag:s4], $0x0  }
0x19: {  	s7 =	sld [smem:$0x3F9F]  }
0x1a: {  	s8 =	sadd.s32 $0xFFFFE003, lr  }
0x1b: {  	s9 =	sadd.s32 $0xFFFFFEF7, lr;
	s5 =	simm.s32 $0xFFFFFFFF;
	p2 =	slt.u32 s8, $0xFFFFF086  }
0x1c: {  	p1 =	slt.u32 s9, $0xF7A;
	s5 =	simm.s32 @!p2 $0x0  }
0x1d: {  	s5 =	simm.s32 @p1 $0x1;
	p0 =	seq.s32 s7, s2  }
0x1e: {  	s7 =	smul.u32 @!p0 $0xF7A, s2;
	p2 =	seq.s32 @!p0 s5, $0x0  }
0x1f: {  	s9 =	smul.u32 $0xF7A, s1;
	s8 =	simm.s32 @!p0 $0x1BF5;
	p2 =	por !p2, p0  }
0x20: {  	[sflag:s8] =	ssyncset.s32 @!p0 $0xFFFFF086;
	s6 =	sadd.s32 @!p0 s3, s7;
	s7 =	simm.s32 @!p0 $0x108  }
0x21: {  	s3 =	sadd.s32 s3, s9;
	s6 =	sadd.s32 @!p0 $0x88, s6;
	s7 =	simm.s32 @p2 $0x1082  }
0x22: {  	[simem:s7], [sflag:s8] =	dma.local @!p0 [hbm:s6], $0xF7A  }
0x23: {  	s9 =	sor.u32 $0xD0000000, s2;
	s6 =	simm.s32 $0x108;
	_ =	swait.ge @!p0 [sflag:s8], $0x0  }
0x24: {  	s3 =	sadd.s32 $0x88, s3;
	s6 =	simm.s32 @!p1 $0x1082;
	[sflag:s4] =	ssyncset.s32 $0xFFFFF086  }
0x25: {  	[simem:s6], [sflag:s4] =	dma.local [hbm:s3], $0xF7A  }
0x26: {  	[smem:$0x3F9F] =	sst s1;
	(tag) =	ssettag s2;
	_ =	strace s9  }
0x27: {  	s1 =	sld [smem:$0x3FAF]  }
0x28: {  	s2 =	sld [smem:$0x3FB0]  }
0x29: {  	s4 =	sld [smem:$0x3FB2]  }
0x2a: {  	p0 =	seq.s32 s5, $0x0;
	s5 =	sld [smem:$0x3FB3]  }
0x2b: {  	s6 =	sld [smem:$0x3FB4]  }
0x2c: {  	s7 =	sld [smem:$0x3FB5]  }
0x2d: {  	s3 =	simm.s32 $0x108;
	s8 =	sld [smem:$0x3FB6]  }
0x2e: {  	s3 =	simm.s32 @!p0 $0x1082;
	s9 =	sld [smem:$0x3FB7]  }
0x2f: {  	lr =	sadd.s32 s0, s3;
	s0 =	sld [smem:$0x3FAE]  }
0x30: {  	s3 =	sld [smem:$0x3FB1]  }
0x31: {  	[smem:$0x3FBA] =	sst s10  }
0x32: {  	s10 =	sld [smem:$0x3FB8];
	_ =	sdelay $0x3  }
0x33: {  	p0 =	seq.s32 s10, $0x1;
	s10 =	sld [smem:$0x3FBA];
	_ =	sdelay $0x3  }
0x34: {  	[smem:$0x3FBA] =	sst s10  }
0x35: {  	s10 =	sld [smem:$0x3FB9];
	_ =	sdelay $0x3  }
0x36: {  	p1 =	seq.s32 s10, $0x1;
	s10 =	sld [smem:$0x3FBA];
	_ =	sdelay $0x3  }
0x37: {  	[smem:$0x3FBA] =	sst s10  }
0x38: {  	s10 =	sld [smem:$0x3FBB]  }
0x39: {  	_ = 	snop;
	(pc) =	sbr.ind lr, $3  }
0x3a: {  	_ = 	snop  }
0x3b: {  	_ = 	snop  }
0x3c: {  	p2 =	seq.s32 s10, $0x1;
	s10 =	sld [smem:$0x3FBA]  }
0x3d: {  	_ =	shalt  }
0x3e: {  	_ =	shalt  }
0x3f: {  	_ =	shalt  }
0x40: {  	_ =	shalt  }
0x41: {  	_ =	shalt  }
0x42: {  	_ =	shalt  }
0x43: {  	_ =	shalt  }
0x44: {  	_ =	shalt  }
0x45: {  	_ =	shalt  }
0x46: {  	_ =	shalt  }
0x47: {  	_ =	shalt  }
0x48: {  	_ =	shalt  }
0x49: {  	_ =	shalt  }
0x4a: {  	_ =	shalt  }
0x4b: {  	_ =	shalt  }
0x4c: {  	_ =	shalt  }
0x4d: {  	_ =	shalt  }
0x4e: {  	_ =	shalt  }
0x4f: {  	_ =	shalt  }
0x50: {  	_ =	shalt  }
0x51: {  	_ =	shalt  }
0x52: {  	_ =	shalt  }
0x53: {  	_ =	shalt  }
0x54: {  	_ =	shalt  }
0x55: {  	_ =	shalt  }
0x56: {  	_ =	shalt  }
0x57: {  	_ =	shalt  }
0x58: {  	_ =	shalt  }
0x59: {  	_ =	shalt  }
0x5a: {  	_ =	shalt  }
0x5b: {  	_ =	shalt  }
0x5c: {  	_ =	shalt  }
0x5d: {  	_ =	shalt  }
0x5e: {  	_ =	shalt  }
0x5f: {  	_ =	shalt  }
0x60: {  	_ =	shalt  }
0x61: {  	_ =	shalt  }
0x62: {  	_ =	shalt  }
0x63: {  	_ =	shalt  }
0x64: {  	_ =	shalt  }
0x65: {  	_ =	shalt  }
0x66: {  	_ =	shalt  }
0x67: {  	_ =	shalt  }
0x68: {  	_ =	shalt  }
0x69: {  	_ =	shalt  }
0x6a: {  	_ =	shalt  }
0x6b: {  	_ =	shalt  }
0x6c: {  	_ =	shalt  }
0x6d: {  	_ =	shalt  }
0x6e: {  	_ =	shalt  }
0x6f: {  	_ =	shalt  }
0x70: {  	_ =	shalt  }
0x71: {  	_ =	shalt  }
0x72: {  	_ =	shalt  }
0x73: {  	_ =	shalt  }
0x74: {  	_ =	shalt  }
0x75: {  	_ =	shalt  }
0x76: {  	_ =	shalt  }
0x77: {  	_ =	shalt  }
0x78: {  	_ =	shalt  }
0x79: {  	_ =	shalt  }
0x7a: {  	_ =	shalt  }
0x7b: {  	_ =	shalt  }
0x7c: {  	_ =	shalt  }
0x7d: {  	_ =	shalt  }
0x7e: {  	_ =	shalt  }
0x7f: {  	_ =	shalt  }
0x80: {  	_ =	shalt  }
0x81: {  	_ =	shalt  }
0x82: {  	_ =	shalt  }
0x83: {  	_ =	shalt  }
0x84: {  	_ =	shalt  }
0x85: {  	_ =	shalt  }
0x86: {  	_ =	shalt  }
0x87: {  	_ =	shalt  }
.Lfunc_end0:
.L_simem_size_0:
called_computation_lowered:
.L_overlay_start_0:
0x88: {  	s2 =	sld [smem:$0x3FD9]  }
0x89: {  	s3 =	sld [smem:$0x3FFE];
	_ =	sdelay $0x1  }
0x8a: {  	s1 =	srdreg.scid  }
0x8b: {  	s0 =	sand.u32 $0x1, s1  }
0x8c: {  	s17 =	sshll.u32 s0, $0xA;
	s2 =	sadd.s32 s3, s2  }
0x8d: {  	s2 =	sadd.s32 s2, s17  }
0x8e: {  	[smem:$0x3FC6] =	sst s2  }
0x8f: {  	_ = 	snop  }
0x90: {  	s2 =	sld [smem:$0x3FC9]  }
0x91: {  	s18 =	sld [smem:$0x3FC8];
	(tm) =	ssettm $0x1  }
0x92: {  	s4 =	sld [smem:$0x3FFB];
	_ =	sdelay $0x3  }
0x93: {  	_ =	strace s4  }
0x94: {  	s4 =	sld [smem:$0x3FFC];
	_ =	sdelay $0x3  }
0x95: {  	_ =	strace s4  }
0x96: {  	s4 =	sld [smem:$0x3FFD];
	_ =	sdelay $0x3  }
0x97: {  	_ =	strace s4  }
0x98: {  	_ =	strace $0x8FFFFFFF  }
0x99: {  	s19 =	sld [smem:$0x3FDB];
	_ =	sdelay $0x1  }
0x9a: {  	s5 =	simm.s32 $_scs_section_size  }
0x9b: {  	s6 =	simm.s32 $_size__tile_overlayer_lowered;
	s7 =	simm.s32 $_tile_overlayer_lowered  }
0x9c: {  	s22 =	simm.s32 $0x1BFF;
	s21 =	sshll.u32 s7, $0x1;
	s4 =	sadd.s32 s5, s19  }
0x9d: {  	s8 =	simm.s32 $0x0;
	s20 =	sshll.u32 s6, $0x1;
	s6 =	sadd.s32 s21, s4  }
0x9e: {  	[timem:s8], [sflag:s22] =	dma.local [hbm:s6], s20  }
0x9f: {  	_ =	swait.ge [sflag:s22], s20  }
0xa0: {  	s5 =	ssub.s32 $0x0, s20;
	[sflag:s22] =	ssyncset.done $0x0  }
0xa1: {  	[sflag:s22] =	ssyncadd.s32 s5;
	_ =	sdelay $0x1  }
0xa2: {  	s23 =	simm.s32 $0x1B8B  }
0xa3: {  	_ =	swait.ge [sflag:s23], $0x1  }
0xa4: {  	[sflag:s23] =	ssyncset.done $0x0  }
0xa5: {  	s25 =	simm.s32 $0x1B8E;
	s24 =	sld [smem:$0x3FFE];
	[sflag:s23] =	ssyncadd.s32 $0xFFFFFFFF  }
0xa6: {  	s26 =	simm.s32 $execute0_lowered;
	[smem:$0x3FD2] =	sst s25  }
0xa7: {  	s6 =	sshll.u32 s26, $0x1;
	_ =	strace $0x80000046;
	[dreg:$0x1] =	wrdreg $0xFFFFFFFF  }
0xa8: {  	s28 =	simm.s32 $_size_execute0_lowered;
	s4 =	sadd.s32 s4, s6;
	[dreg:$0x0] =	wrdreg $0x0  }
0xa9: {  	s6 =	sshll.u32 s28, $0x1;
	[dreg:$0x2] =	wrdreg s4  }
0xaa: {  	[dreg:$0x3] =	wrdreg s6  }
0xab: {  	[dreg:$0x4] =	wrdreg $0xC0  }
0xac: {  	_ =	task [dreg:s8], $0x5FFFF  }
0xad: {  	[dreg:$0x1] =	wrdreg $0xFFFFFFFF  }
0xae: {  	[dreg:$0x0] =	wrdreg $0x60  }
0xaf: {  	[dreg:$0x2] =	wrdreg s2  }
0xb0: {  	[dreg:$0x3] =	wrdreg s18  }
0xb1: {  	[dreg:$0x4] =	wrdreg s24  }
0xb2: {  	[dreg:$0x5] =	wrdreg $0x9  }
0xb3: {  	_ =	task.clear_ibuf [dreg:s8], $0x6FFFF;
	_ =	strace $0x90000046  }
0xb4: {  	s29 =	simm.s32 $0x9;
	_ =	strace $0x80000048  }
0xb5: {  	_ =	swait.ge [sflag:s29], $0x1  }
0xb6: {  	[sflag:s29] =	ssyncadd.s32 $0xFFFFFFFF  }
0xb7: {  	_ =	strace $0x90000048  }
0xb8: {  	_ =	sfence  }
0xb9: {  	s30 =	sld [smem:$0x0];
	_ =	sdelay $0x2  }
0xba: {  	s31 =	sshll.u32 s1, $0xD;
	s1 =	sshrl.u32 s1, $0x2  }
0xbb: {  	s3 =	sand.u32 $0x4000, s31;
	s1 =	sadd.s32 s1, s30  }
0xbc: {  	s0 =	sor.u32 s3, s0;
	s1 =	sshll.u32 s1, $0x11  }
0xbd: {  	s0 =	sor.u32 s1, s0  }
0xbe: {  	s0 =	sadd.s32 $0x8F2B, s0  }
0xbf: {  	[sflag:s0] =	ssyncadd.remote.s32 $0x1  }
0xc0: {  	_ =	sfence.sel $0xFFFF  }
0xc1: {  	[dreg:$0x0] =	wrdreg $0xFFFFFFFF;
	(pc) =	sbr.abs _section_cstart, $3  }
0xc2: {  	[dreg:$0x1] =	wrdreg $0xFFFFFFFF  }
0xc3: {  	_ =	task.clear_ibuf [dreg:s8], $0x2FFFF;
	_ =	strace $0x9FFFFFFF  }
0xc4: {  	(tm) =	ssettm $0x7FFFFFFF  }
0xc5: {  	_ =	shalt  }
tec
execute0_lowered:
.L_overlay_start_1:
0x0: {  	(tag) =	ssettag $0x1  }
0x1: {  	s5 =	rddreg [dreg:$0x0];
	s1 =	srdreg.scid  }
0x2: {  	s6 =	rddreg [dreg:$0x1];
	s1 =	sand.u32 $0x1, s1  }
0x3: {  	s0 =	rddreg [dreg:$0x2];
	s4 =	stileid.u32;
	s3 =	sshll.u32 s1, $0x4  }
0x4: {  	s10 =	simm.s32 $0x0;
	s1 =	ssub.s32 $0x2, s1;
	s3 =	sor.u32 s4, s3  }
0x5: {  	s2 =	sshll.u32 s4, $0x4;
	s7 =	sshrl.u32 s1, $0x1;
	s4 =	sshll.u32 s3, $0xA  }
0x6: {  	[smem:$0x7FF] =	sst s10;
	s1 =	ssub.s32 s1, s7;
	s9 =	sadd.s32 s6, s4  }
0x7: {  	_ =	strace $0x80000047;
	s13 =	smax.u32 s1, $0x1;
	[smem:$0x7EB] =	sst s9  }
0x8: {  	s11 =	sadd.s32 s5, s4;
	[smem:$0x7ED] =	sst s13  }
0x9: {  	s14 =	sadd.s32 $0x40000, s11;
	[smem:$0x7FC] =	sst s11  }
0xa: {  	s15 =	sadd.s32 $0x80000, s11;
	[smem:$0x7EE] =	sst s14  }
0xb: {  	s16 =	sadd.s32 $0xC0000, s11;
	[smem:$0x7EF] =	sst s15  }
0xc: {  	s28 =	simm.s32 $0x200;
	s17 =	sadd.s32 $0x100000, s11;
	[smem:$0x7F0] =	sst s16  }
0xd: {  	s29 =	simm.s32 $0x400;
	s18 =	sadd.s32 $0x140000, s11;
	[smem:$0x7F1] =	sst s17  }
0xe: {  	s2 =	sand.u32 $0x70, s2;
	s19 =	sadd.s32 $0x180000, s11;
	[smem:$0x7F2] =	sst s18  }
0xf: {  	s0 =	sadd.s32 s2, s0;
	s20 =	sadd.s32 $0x1C0000, s11;
	[smem:$0x7F3] =	sst s19  }
0x10: {  	s8 =	sshll.u32 s3, $0x4;
	s21 =	sadd.s32 $0x200000, s11;
	[smem:$0x7F4] =	sst s20  }
0x11: {  	s12 =	sor.u32 $0x200, s4;
	s22 =	sadd.s32 $0x240000, s11;
	[smem:$0x7F5] =	sst s21  }
0x12: {  	s2 =	sand.u32 $0x180, s8;
	s23 =	sadd.s32 $0x280000, s11;
	[smem:$0x7F6] =	sst s22  }
0x13: {  	s7 =	sor.u32 $0x40, s4;
	s24 =	sadd.s32 $0x2C0000, s11;
	[smem:$0x7F7] =	sst s23  }
0x14: {  	s8 =	sadd.s32 s5, s12;
	s25 =	sadd.s32 $0x300000, s11;
	[smem:$0x7F8] =	sst s24  }
0x15: {  	s0 =	sadd.s32 s2, s0;
	s26 =	sadd.s32 $0x340000, s11;
	[smem:$0x7F9] =	sst s25  }
0x16: {  	s9 =	sadd.s32 s6, s12;
	s30 =	sadd.s32 $0x380000, s11;
	[smem:$0x7FA] =	sst s26  }
0x17: {  	s31 =	sadd.s32 $0x3C0000, s11;
	s2 =	simm.s32 $0x0;
	[smem:$0x7FB] =	sst s30  }
0x18: {  	s0 =	sadd.s32 $0x400, s0;
	[smem:$0x7FD] =	sst s31;
	s16 =	simm.s32 $0xE000  }
0x19: {  	s17 =	simm.s32 $0xE800;
	s18 =	simm.s32 $0xF000;
	s19 =	simm.s32 $0xF800  }
0x1a: {  	s20 =	simm.s32 $0x10800;
	s21 =	simm.s32 $0x1;
	s22 =	simm.s32 $0x3  }
0x1b: {  	s23 =	simm.s32 $0x2;
	s24 =	simm.s32 $0x4;
	[smem:$0x7EC] =	sst s0  }
.LBB2_1:
0x1c: {  	s0 =	sld [smem:$0x7FC]  }
0x1d: {  	[smem:$0x7EA] =	sst s2  }
0x1e: {  	s2 =	sld [smem:$0x7EE]  }
0x1f: {  	[tilespmem:s10], [sflag:$0x1] =	stream.strided.gather [hbm4b:s0+s28], $0x800, s29, s28, $0x38;
	[tilespmem:$0x11080] =	vst v63  }
0x20: {  	s1 =	simm.s32 $0x800;
	s3 =	sld [smem:$0x7EF]  }
0x21: {  	[tilespmem:s1], [sflag:$0x1] =	stream.strided.gather [hbm4b:s2+s28], $0x800, s29, s28, $0x38;
	[tilespmem:$0x11080] =	vst v63  }
0x22: {  	s4 =	simm.s32 $0x1000;
	s5 =	sld [smem:$0x7F0]  }
0x23: {  	[tilespmem:s4], [sflag:$0x1] =	stream.strided.gather [hbm4b:s3+s28], $0x800, s29, s28, $0x38;
	[tilespmem:$0x11080] =	vst v63  }
0x24: {  	s6 =	simm.s32 $0x1800;
	s10 =	sld [smem:$0x7F1]  }
0x25: {  	[tilespmem:s6], [sflag:$0x1] =	stream.strided.gather [hbm4b:s5+s28], $0x800, s29, s28, $0x38;
	[tilespmem:$0x11080] =	vst v63  }
0x26: {  	s11 =	simm.s32 $0x2000;
	s12 =	sld [smem:$0x7F2]  }
0x27: {  	[tilespmem:s11], [sflag:$0x1] =	stream.strided.gather [hbm4b:s10+s28], $0x800, s29, s28, $0x38;
	[tilespmem:$0x11080] =	vst v63  }
0x28: {  	s13 =	simm.s32 $0x2800;
	s14 =	sld [smem:$0x7F3]  }
0x29: {  	[tilespmem:s13], [sflag:$0x1] =	stream.strided.gather [hbm4b:s12+s28], $0x800, s29, s28, $0x38;
	[tilespmem:$0x11080] =	vst v63  }
0x2a: {  	s15 =	simm.s32 $0x3000;
	s25 =	sld [smem:$0x7F4]  }
0x2b: {  	[tilespmem:s15], [sflag:$0x1] =	stream.strided.gather [hbm4b:s14+s28], $0x800, s29, s28, $0x38;
	[tilespmem:$0x11080] =	vst v63  }
0x2c: {  	s26 =	simm.s32 $0x3800;
	s30 =	sld [smem:$0x7F5]  }
0x2d: {  	[tilespmem:s26], [sflag:$0x1] =	stream.strided.gather [hbm4b:s25+s28], $0x800, s29, s28, $0x38;
	[tilespmem:$0x11080] =	vst v63  }
0x2e: {  	s31 =	simm.s32 $0x4000;
	s1 =	sld [smem:$0x7F6]  }
0x2f: {  	[tilespmem:s31], [sflag:$0x1] =	stream.strided.gather [hbm4b:s30+s28], $0x800, s29, s28, $0x38;
	[tilespmem:$0x11080] =	vst v63  }
0x30: {  	s2 =	simm.s32 $0x4800;
	s3 =	sld [smem:$0x7F7]  }
0x31: {  	[tilespmem:s2], [sflag:$0x1] =	stream.strided.gather [hbm4b:s1+s28], $0x800, s29, s28, $0x38;
	[tilespmem:$0x11080] =	vst v63  }
0x32: {  	s4 =	simm.s32 $0x5000;
	s5 =	sld [smem:$0x7F8]  }
0x33: {  	[tilespmem:s4], [sflag:$0x1] =	stream.strided.gather [hbm4b:s3+s28], $0x800, s29, s28, $0x38;
	[tilespmem:$0x11080] =	vst v63  }
0x34: {  	s6 =	simm.s32 $0x5800;
	s10 =	sld [smem:$0x7F9]  }
0x35: {  	[tilespmem:s6], [sflag:$0x1] =	stream.strided.gather [hbm4b:s5+s28], $0x800, s29, s28, $0x38;
	[tilespmem:$0x11080] =	vst v63  }
0x36: {  	s11 =	simm.s32 $0x6000;
	s12 =	sld [smem:$0x7FA]  }
0x37: {  	[tilespmem:s11], [sflag:$0x1] =	stream.strided.gather [hbm4b:s10+s28], $0x800, s29, s28, $0x38;
	[tilespmem:$0x11080] =	vst v63  }
0x38: {  	s13 =	simm.s32 $0x6800;
	s14 =	sld [smem:$0x7FB]  }
0x39: {  	[tilespmem:s13], [sflag:$0x1] =	stream.strided.gather [hbm4b:s12+s28], $0x800, s29, s28, $0x38;
	[tilespmem:$0x11080] =	vst v63  }
0x3a: {  	s15 =	simm.s32 $0x7000;
	s25 =	sld [smem:$0x7FD]  }
0x3b: {  	[tilespmem:s15], [sflag:$0x1] =	stream.strided.gather [hbm4b:s14+s28], $0x800, s29, s28, $0x38;
	[tilespmem:$0x11080] =	vst v63  }
0x3c: {  	s26 =	simm.s32 $0x7800;
	s30 =	sld [smem:$0x7EB]  }
0x3d: {  	[tilespmem:s26], [sflag:$0x1] =	stream.strided.gather [hbm4b:s25+s28], $0x800, s29, s28, $0x38;
	[tilespmem:$0x11080] =	vst v63  }
0x3e: {  	p1 =	por $0x1, $0x1;
	s0 =	simm.s32 $0x0;
	s31 =	simm.s32 $0x10000  }
0x3f: {  	v0 =	vimm.f32 $0.0e+00;
	[tilespmem:s31], [sflag:$0x3] =	stream.strided.gather [hbm4b:s30+s28], $0x800, s29, s28, $0x38;
	[tilespmem:$0x11080] =	vst v63  }
.LBB2_2:
0x40: {  	s0 =	sor.u32 s7, s0;
	s1 =	rddreg [dreg:$0x0]  }
0x41: {  	s2 =	simm.s32 $0x8000;
	s1 =	sadd.s32 s1, s0  }
0x42: {  	[tilespmem:s2], [sflag:$0x2] =	stream.strided.gather [hbm4b:s1+s28], $0x800, s29, s28, $0x38;
	[tilespmem:$0x11080] =	vst v63  }
0x43: {  	s3 =	simm.s32 $0x8800;
	s6 =	sadd.s32 $0x40000, s1  }
0x44: {  	[tilespmem:s3], [sflag:$0x2] =	stream.strided.gather [hbm4b:s6+s28], $0x800, s29, s28, $0x38;
	[tilespmem:$0x11080] =	vst v63  }
0x45: {  	s11 =	simm.s32 $0x9000;
	s10 =	sadd.s32 $0x80000, s1  }
0x46: {  	[tilespmem:s11], [sflag:$0x2] =	stream.strided.gather [hbm4b:s10+s28], $0x800, s29, s28, $0x38;
	[tilespmem:$0x11080] =	vst v63  }
0x47: {  	s13 =	simm.s32 $0x9800;
	s12 =	sadd.s32 $0xC0000, s1  }
0x48: {  	[tilespmem:s13], [sflag:$0x2] =	stream.strided.gather [hbm4b:s12+s28], $0x800, s29, s28, $0x38;
	[tilespmem:$0x11080] =	vst v63  }
0x49: {  	s15 =	simm.s32 $0xA000;
	s14 =	sadd.s32 $0x100000, s1  }
0x4a: {  	[tilespmem:s15], [sflag:$0x2] =	stream.strided.gather [hbm4b:s14+s28], $0x800, s29, s28, $0x38;
	[tilespmem:$0x11080] =	vst v63  }
0x4b: {  	s26 =	simm.s32 $0xA800;
	s25 =	sadd.s32 $0x140000, s1  }
0x4c: {  	[tilespmem:s26], [sflag:$0x2] =	stream.strided.gather [hbm4b:s25+s28], $0x800, s29, s28, $0x38;
	[tilespmem:$0x11080] =	vst v63  }
0x4d: {  	s31 =	simm.s32 $0xB000;
	s30 =	sadd.s32 $0x180000, s1  }
0x4e: {  	[tilespmem:s31], [sflag:$0x2] =	stream.strided.gather [hbm4b:s30+s28], $0x800, s29, s28, $0x38;
	[tilespmem:$0x11080] =	vst v63  }
0x4f: {  	s4 =	simm.s32 $0xB800;
	s3 =	sadd.s32 $0x1C0000, s1  }
0x50: {  	[tilespmem:s4], [sflag:$0x2] =	stream.strided.gather [hbm4b:s3+s28], $0x800, s29, s28, $0x38;
	[tilespmem:$0x11080] =	vst v63  }
0x51: {  	s5 =	sadd.s32 $0x200000, s1;
	s6 =	simm.s32 $0xC000  }
0x52: {  	[tilespmem:s6], [sflag:$0x2] =	stream.strided.gather [hbm4b:s5+s28], $0x800, s29, s28, $0x38;
	[tilespmem:$0x11080] =	vst v63  }
0x53: {  	s10 =	sadd.s32 $0x240000, s1;
	s11 =	simm.s32 $0xC800  }
0x54: {  	[tilespmem:s11], [sflag:$0x2] =	stream.strided.gather [hbm4b:s10+s28], $0x800, s29, s28, $0x38;
	[tilespmem:$0x11080] =	vst v63  }
0x55: {  	s12 =	sadd.s32 $0x280000, s1;
	s13 =	simm.s32 $0xD000  }
0x56: {  	[tilespmem:s13], [sflag:$0x2] =	stream.strided.gather [hbm4b:s12+s28], $0x800, s29, s28, $0x38;
	[tilespmem:$0x11080] =	vst v63  }
0x57: {  	s14 =	sadd.s32 $0x2C0000, s1;
	s15 =	simm.s32 $0xD800  }
0x58: {  	[tilespmem:s15], [sflag:$0x2] =	stream.strided.gather [hbm4b:s14+s28], $0x800, s29, s28, $0x38;
	[tilespmem:$0x11080] =	vst v63  }
0x59: {  	s25 =	sadd.s32 $0x300000, s1  }
0x5a: {  	[tilespmem:s16], [sflag:$0x2] =	stream.strided.gather [hbm4b:s25+s28], $0x800, s29, s28, $0x38;
	[tilespmem:$0x11080] =	vst v63  }
0x5b: {  	s26 =	sadd.s32 $0x340000, s1  }
0x5c: {  	[tilespmem:s17], [sflag:$0x2] =	stream.strided.gather [hbm4b:s26+s28], $0x800, s29, s28, $0x38;
	[tilespmem:$0x11080] =	vst v63  }
0x5d: {  	s30 =	sadd.s32 $0x380000, s1  }
0x5e: {  	[tilespmem:s18], [sflag:$0x2] =	stream.strided.gather [hbm4b:s30+s28], $0x800, s29, s28, $0x38;
	[tilespmem:$0x11080] =	vst v63  }
0x5f: {  	s1 =	sadd.s32 $0x3C0000, s1;
	s31 =	rddreg [dreg:$0x1]  }
0x60: {  	[tilespmem:s19], [sflag:$0x2] =	stream.strided.gather [hbm4b:s1+s28], $0x800, s29, s28, $0x38;
	[tilespmem:$0x11080] =	vst v63  }
0x61: {  	s0 =	sadd.s32 s31, s0  }
0x62: {  	[tilespmem:s20], [sflag:$0x4] =	stream.strided.gather [hbm4b:s0+s28], $0x800, s29, s28, $0x38;
	[tilespmem:$0x11080] =	vst v63  }
0x63: {  	_ =	swait.ge [sflag:s21], $0x8000  }
0x64: {  	[sflag:s21] =	ssyncset.done $0x0  }
0x65: {  	[sflag:s21] =	ssyncadd.s32 $0xFFFF8000  }
0x66: {  	_ =	swait.ge [sflag:s22], $0x800  }
0x67: {  	p0 =	por p1, p1;
	[sflag:s22] =	ssyncset.done $0x0  }
0x68: {  	s5 =	simm.s32 $0x0;
	s25 =	simm.s32 $0x0;
	[sflag:s22] =	ssyncadd.s32 $0xFFFFF800  }
.LBB2_3:
0x69: {  	s1 =	sshll.u32 s25, $0x7  }
0x6a: {  	s0 =	sadd.s32 $0x800, s1  }
0x6b: {  	s26 =	sadd.s32 $0x1000, s1;
	[dreg:$0x4] =	wrdreg s0  }
0x6c: {  	s2 =	sadd.s32 $0x1800, s1;
	[dreg:$0x5] =	wrdreg s26  }
0x6d: {  	s3 =	sadd.s32 $0x2000, s1;
	[dreg:$0x6] =	wrdreg s2  }
0x6e: {  	s4 =	sadd.s32 $0x2800, s1;
	[dreg:$0x7] =	wrdreg s3  }
0x6f: {  	s6 =	sadd.s32 $0x3000, s1;
	[dreg:$0x8] =	wrdreg s4  }
0x70: {  	s10 =	sadd.s32 $0x3800, s1;
	[dreg:$0x9] =	wrdreg s6  }
0x71: {  	s11 =	sadd.s32 $0x4000, s1;
	[dreg:$0xa] =	wrdreg s10  }
0x72: {  	s12 =	sadd.s32 $0x4800, s1;
	[dreg:$0xb] =	wrdreg s11  }
0x73: {  	s13 =	sadd.s32 $0x5800, s1;
	[dreg:$0xc] =	wrdreg s12  }
0x74: {  	s15 =	sadd.s32 $0x6000, s1;
	[dreg:$0xe] =	wrdreg s13  }
0x75: {  	[dreg:$0xf] =	wrdreg s15  }
0x76: {  	s4 =	sadd.s32 $0x5000, s1;
	s3 =	sand.u32 $0x600, s5;
	s2 =	rddreg [dreg:$0x4]  }
0x77: {  	s0 =	sand.u32 $0x70, s5;
	s10 =	rddreg [dreg:$0x5];
	s6 =	sor.u32 s1, s3  }
0x78: {  	[dreg:$0xd] =	wrdreg s4;
	s6 =	sor.u32 s0, s6;
	s2 =	sadd.s32 s3, s2  }
0x79: {  	s11 =	rddreg [dreg:$0x6];
	v1 =	vld [tilespmem:s6+$0x0];
	s2 =	sadd.s32 s0, s2  }
0x7a: {  	s26 =	rddreg [dreg:$0x7];
	s14 =	sadd.s32 s3, s10;
	v2 =	vld [tilespmem:s2+$0x0]  }
0x7b: {  	s12 =	sadd.s32 $0x6800, s1;
	s13 =	rddreg [dreg:$0x8];
	s2 =	sadd.s32 s0, s14  }
0x7c: {  	s15 =	sadd.s32 $0x7000, s1;
	[dreg:$0x10] =	wrdreg s12;
	s11 =	sadd.s32 s3, s11;
	v3 =	vld [tilespmem:s2+$0x0]  }
0x7d: {  	[dreg:$0x11] =	wrdreg s15;
	s2 =	sadd.s32 s0, s11  }
0x7e: {  	s12 =	sadd.s32 $0x7800, s1;
	s15 =	rddreg [dreg:$0xb];
	s14 =	sadd.s32 s3, s26;
	v4 =	vld [tilespmem:s2+$0x0]  }
0x7f: {  	[dreg:$0x12] =	wrdreg s12;
	s2 =	sadd.s32 s0, s14;
	v1 =	vadd.f32 v2, v1  }
0x80: {  	s12 =	rddreg [dreg:$0xd];
	s11 =	sadd.s32 s3, s13;
	v2 =	vld [tilespmem:s2+$0x0]  }
0x81: {  	s26 =	rddreg [dreg:$0x9];
	s2 =	sadd.s32 s0, s11;
	v1 =	vadd.f32 v3, v1  }
0x82: {  	s13 =	rddreg [dreg:$0xa];
	s14 =	sadd.s32 s3, s26;
	s26 =	simm.s32 $0x10;
	v3 =	vld [tilespmem:s2+$0x0]  }
0x83: {  	s2 =	sadd.s32 s0, s14;
	s14 =	sadd.s32 s3, s13;
	s13 =	simm.s32 $0x40;
	v1 =	vadd.f32 v4, v1  }
0x84: {  	s4 =	sadd.s32 s3, s15;
	s26 =	sand.u32 $0x70, s26;
	v4 =	vld [tilespmem:s2+$0x0];
	s2 =	sand.u32 $0x600, s13  }
0x85: {  	s11 =	rddreg [dreg:$0xc];
	s14 =	sadd.s32 s0, s14;
	s15 =	sor.u32 s1, s2;
	v1 =	vadd.f32 v2, v1  }
0x86: {  	s13 =	rddreg [dreg:$0x4];
	v2 =	vld [tilespmem:s14+$0x0];
	s10 =	sor.u32 s26, s15  }
0x87: {  	s4 =	sadd.s32 s0, s4;
	s11 =	sadd.s32 s3, s11;
	s15 =	sadd.s32 s2, s13;
	v5 =	vld [tilespmem:s10+$0x0];
	v1 =	vadd.f32 v3, v1  }
0x88: {  	s14 =	rddreg [dreg:$0x5];
	v3 =	vld [tilespmem:s4+$0x0];
	s4 =	sadd.s32 s0, s11;
	s11 =	sadd.s32 s26, s15  }
0x89: {  	s13 =	rddreg [dreg:$0xe];
	s14 =	sadd.s32 s2, s14;
	v6 =	vld [tilespmem:s11+$0x0];
	v1 =	vadd.f32 v4, v1  }
0x8a: {  	s12 =	sadd.s32 s3, s12;
	s15 =	rddreg [dreg:$0x6];
	s11 =	sadd.s32 s26, s14;
	v4 =	vld [tilespmem:s4+$0x0]  }
0x8b: {  	s15 =	sadd.s32 s2, s15;
	s14 =	rddreg [dreg:$0x7];
	s4 =	sadd.s32 s0, s12;
	v7 =	vld [tilespmem:s11+$0x0];
	v1 =	vadd.f32 v2, v1  }
0x8c: {  	s12 =	rddreg [dreg:$0xf];
	s11 =	sadd.s32 s26, s15;
	v2 =	vld [tilespmem:s4+$0x0];
	s4 =	sadd.s32 s3, s13  }
0x8d: {  	s15 =	sadd.s32 s3, s12;
	s12 =	rddreg [dreg:$0x11];
	v8 =	vld [tilespmem:s11+$0x0];
	s4 =	sadd.s32 s0, s4;
	v1 =	vadd.f32 v3, v1  }
0x8e: {  	s11 =	rddreg [dreg:$0x8];
	v3 =	vld [tilespmem:s4+$0x0]  }
0x8f: {  	s14 =	sadd.s32 s2, s14;
	s13 =	rddreg [dreg:$0x10];
	s4 =	sadd.s32 s0, s15;
	v1 =	vadd.f32 v4, v1  }
0x90: {  	s14 =	sadd.s32 s26, s14;
	s12 =	sadd.s32 s3, s12;
	s13 =	sadd.s32 s3, s13;
	v4 =	vld [tilespmem:s4+$0x0]  }
0x91: {  	v9 =	vld [tilespmem:s14+$0x0];
	s11 =	sadd.s32 s2, s11;
	s14 =	rddreg [dreg:$0xa];
	v5 =	vadd.f32 v6, v5;
	s4 =	sadd.s32 s0, s13;
	v1 =	vadd.f32 v2, v1  }
0x92: {  	s11 =	sadd.s32 s26, s11;
	s14 =	sadd.s32 s2, s14;
	s15 =	rddreg [dreg:$0x9];
	v2 =	vld [tilespmem:s4+$0x0]  }
0x93: {  	s15 =	sadd.s32 s2, s15;
	s13 =	rddreg [dreg:$0x12];
	v5 =	vadd.f32 v7, v5;
	v7 =	vld [tilespmem:s11+$0x0];
	s4 =	sadd.s32 s0, s12;
	v3 =	vadd.f32 v3, v1  }
0x94: {  	s11 =	rddreg [dreg:$0xc];
	s3 =	sadd.s32 s3, s13;
	s13 =	sadd.s32 s26, s15;
	v10 =	vld [tilespmem:s4+$0x0]  }
0x95: {  	s15 =	sadd.s32 s26, s14;
	s14 =	rddreg [dreg:$0x4];
	v5 =	vadd.f32 v8, v5;
	v6 =	vld [tilespmem:s13+$0x0];
	v4 =	vadd.f32 v4, v3  }
0x96: {  	s12 =	simm.s32 $0x20;
	s0 =	sadd.s32 s0, s3;
	s4 =	rddreg [dreg:$0xd];
	v1 =	vld [tilespmem:s6+$0x10000]  }
0x97: {  	s3 =	simm.s32 $0x30;
	s6 =	rddreg [dreg:$0xb];
	v8 =	vadd.f32 v9, v5;
	v3 =	vld [tilespmem:s0+$0x0];
	s0 =	simm.s32 $0x80;
	v4 =	vadd.f32 v2, v4  }
0x98: {  	s31 =	sand.u32 $0x70, s12;
	v5 =	vld [tilespmem:s15+$0x0];
	s6 =	sadd.s32 s2, s6;
	s30 =	sand.u32 $0x600, s0  }
0x99: {  	s12 =	rddreg [dreg:$0x5];
	v7 =	vadd.f32 v7, v8;
	s13 =	sadd.s32 s26, s6;
	s15 =	sor.u32 s1, s30;
	v2 =	vld [tilespmem:s10+$0x10000];
	v4 =	vadd.f32 v10, v4  }
.LBB2_4:
0x9a: {  	p1 =	sne.s32 s3, $0x1F0;
	s6 =	sor.u32 s31, s15;
	v8 =	vld [tilespmem:s13+$0x0];
	s13 =	sadd.s32 s2, s11  }
0x9b: {  	s10 =	smov.u32 s26;
	s26 =	smov.u32 s31;
	s11 =	smov.u32 s2  }
0x9c: {  	s15 =	sadd.s32 s30, s14;
	s14 =	rddreg [dreg:$0xe];
	v9 =	vld [tilespmem:s6+$0x0];
	s13 =	sadd.s32 s10, s13;
	v6 =	vadd.f32 v6, v7  }
0x9d: {  	s0 =	sadd.s32 $0x40, s0;
	s2 =	sadd.s32 s26, s15;
	s4 =	sadd.s32 s11, s4;
	v3 =	vadd.f32 v3, v4;
	v4 =	vcvt.s32.f32 v1;
	v7 =	vld [tilespmem:s13+$0x0]  }
0x9e: {  	s31 =	sand.u32 $0x70, s3;
	v10 =	vld [tilespmem:s2+$0x0];
	s4 =	sadd.s32 s10, s4;
	s13 =	sadd.s32 s30, s12;
	v5 =	vadd.f32 v5, v6  }
0x9f: {  	s15 =	rddreg [dreg:$0x6];
	v3 =	vsub.f32 v3, v4;
	s2 =	sadd.s32 s26, s13;
	v4 =	vld [tilespmem:s4+$0x0];
	s4 =	sadd.s32 s11, s14  }
0xa0: {  	s15 =	sadd.s32 s30, s15;
	s12 =	rddreg [dreg:$0xf];
	v6 =	vld [tilespmem:s2+$0x0];
	s4 =	sadd.s32 s10, s4;
	v5 =	vadd.f32 v8, v5  }
0xa1: {  	s13 =	rddreg [dreg:$0x10];
	s2 =	sadd.s32 s26, s15;
	s15 =	sadd.s32 s11, s12;
	v8 =	vld [tilespmem:s4+$0x0]  }
0xa2: {  	vm0 =	veq.s32 v1, $0x5;
	vm1 =	veq.s32 v1, $0x0;
	v1 =	vmovc v2;
	s14 =	rddreg [dreg:$0x7];
	s13 =	sadd.s32 s11, s13;
	v2 =	vld [tilespmem:s2+$0x0];
	s4 =	sadd.s32 s10, s15;
	v5 =	vadd.f32 v7, v5  }
0xa3: {  	s12 =	rddreg [dreg:$0x11];
	s14 =	sadd.s32 s30, s14;
	v3 =	vmul.f32 $6.250000000e-02, v3;
	v62 =	vld [tilespmem:s4+$0x0];
	s4 =	sadd.s32 s10, s13;
	v7 =	vadd.f32 v10, v9  }
0xa4: {  	s2 =	rddreg [dreg:$0x8];
	s14 =	sadd.s32 s26, s14;
	s12 =	sadd.s32 s11, s12;
	v4 =	vadd.f32 v4, v5;
	v5 =	vld [tilespmem:s4+$0x0]  }
0xa5: {  	vm2 =	vgt.f32 v3, $0.0e+00;
	vm3 =	vlt.f32 v3, $0.0e+00;
	s13 =	rddreg [dreg:$0x12];
	v6 =	vadd.f32 v6, v7;
	v7 =	vld [tilespmem:s14+$0x0];
	s14 =	sadd.s32 s30, s2;
	s4 =	sadd.s32 s10, s12  }
0xa6: {  	s15 =	rddreg [dreg:$0x9];
	vm0 =	vmand vm0, vm2;
	vm1 =	vmand vm1, vm3;
	s11 =	sadd.s32 s11, s13;
	s12 =	sadd.s32 s26, s14;
	v4 =	vadd.f32 v8, v4;
	v8 =	vld [tilespmem:s4+$0x0]  }
0xa7: {  	s13 =	rddreg [dreg:$0xb];
	vm0 =	vmor vm0, vm1;
	s2 =	smov.u32 s30;
	s10 =	sadd.s32 s10, s11;
	v11 =	vld [tilespmem:s12+$0x0]  }
.Ltmp0:
0xa8: {  	v3 =	vsel vm0, $0x0, v3;
	s14 =	rddreg [dreg:$0xa];
	s15 =	sadd.s32 s2, s15;
	v2 =	vadd.f32 v2, v6;
	v4 =	vadd.f32 v62, v4;
	(pc) =	sbr.rel @p1 .LBB2_4-.Ltmp0, $4  }
0xa9: {  	s11 =	rddreg [dreg:$0xc];
	v63 =	vmul.f32 v3, v3;
	v3 =	vld [tilespmem:s10+$0x0];
	s12 =	sadd.s32 s26, s15;
	s15 =	sadd.s32 s2, s14  }
0xaa: {  	s3 =	sadd.s32 $0x10, s3;
	s4 =	rddreg [dreg:$0xd];
	v6 =	vld [tilespmem:s12+$0x0];
	s10 =	sadd.s32 s26, s15;
	v2 =	vadd.f32 v7, v2;
	v4 =	vadd.f32 v5, v4  }
0xab: {  	s30 =	sand.u32 $0x600, s0;
	s13 =	sadd.s32 s2, s13;
	s14 =	rddreg [dreg:$0x4];
	v0 =	vadd.f32 v63, v0;
	v5 =	vld [tilespmem:s10+$0x0]  }
0xac: {  	s13 =	sadd.s32 s26, s13;
	s12 =	rddreg [dreg:$0x5];
	s15 =	sor.u32 s1, s30;
	v7 =	vadd.f32 v11, v2;
	v2 =	vld [tilespmem:s6+$0x10000];
	v4 =	vadd.f32 v8, v4  }
0xad: {  	s0 =	sor.u32 s31, s15;
	s1 =	sadd.s32 s30, s14  }
0xae: {  	v8 =	vld [tilespmem:s0+$0x0];
	s1 =	sadd.s32 s31, s1  }
0xaf: {  	s6 =	sadd.s32 s30, s12;
	v9 =	vld [tilespmem:s1+$0x0]  }
0xb0: {  	s3 =	rddreg [dreg:$0x6];
	s1 =	sadd.s32 s31, s6  }
0xb1: {  	s10 =	sadd.s32 s30, s3;
	v10 =	vld [tilespmem:s1+$0x0]  }
0xb2: {  	s6 =	rddreg [dreg:$0x7];
	s1 =	sadd.s32 s31, s10  }
0xb3: {  	s14 =	sadd.s32 s30, s6;
	v11 =	vld [tilespmem:s1+$0x0]  }
0xb4: {  	s12 =	rddreg [dreg:$0x8];
	s1 =	sadd.s32 s31, s14;
	v8 =	vadd.f32 v9, v8  }
0xb5: {  	s10 =	sadd.s32 s30, s12;
	v38 =	vld [tilespmem:s1+$0x0]  }
0xb6: {  	s15 =	rddreg [dreg:$0x9];
	s1 =	sadd.s32 s31, s10;
	v8 =	vadd.f32 v10, v8  }
0xb7: {  	s14 =	sadd.s32 s30, s15;
	v39 =	vld [tilespmem:s1+$0x0]  }
0xb8: {  	s12 =	rddreg [dreg:$0xa];
	s1 =	sadd.s32 s31, s14;
	v8 =	vadd.f32 v11, v8  }
0xb9: {  	s3 =	sadd.s32 s30, s12;
	v40 =	vld [tilespmem:s1+$0x0]  }
0xba: {  	v41 =	vld [tilespmem:s13+$0x0];
	s11 =	sadd.s32 s2, s11;
	s15 =	rddreg [dreg:$0xb];
	s1 =	sadd.s32 s31, s3;
	v8 =	vadd.f32 v38, v8  }
0xbb: {  	s12 =	sadd.s32 s30, s15;
	s3 =	sadd.s32 s26, s11;
	v42 =	vld [tilespmem:s1+$0x0]  }
0xbc: {  	s13 =	sadd.s32 s2, s4;
	v6 =	vadd.f32 v6, v7;
	s10 =	rddreg [dreg:$0xc];
	v43 =	vld [tilespmem:s3+$0x0];
	s1 =	sadd.s32 s31, s12;
	v8 =	vadd.f32 v39, v8  }
0xbd: {  	s10 =	sadd.s32 s30, s10;
	s11 =	rddreg [dreg:$0xe];
	s3 =	sadd.s32 s26, s13;
	v44 =	vld [tilespmem:s1+$0x0]  }
0xbe: {  	v5 =	vadd.f32 v5, v6;
	s14 =	rddreg [dreg:$0xd];
	s11 =	sadd.s32 s2, s11;
	v45 =	vld [tilespmem:s3+$0x0];
	s1 =	sadd.s32 s31, s10;
	v8 =	vadd.f32 v40, v8  }
0xbf: {  	s15 =	rddreg [dreg:$0xf];
	s14 =	sadd.s32 s30, s14;
	s3 =	sadd.s32 s26, s11;
	v46 =	vld [tilespmem:s1+$0x0]  }
0xc0: {  	v5 =	vadd.f32 v41, v5;
	s15 =	sadd.s32 s2, s15;
	s12 =	rddreg [dreg:$0xe];
	v47 =	vld [tilespmem:s3+$0x0];
	s1 =	sadd.s32 s31, s14;
	v7 =	vadd.f32 v42, v8  }
0xc1: {  	s13 =	rddreg [dreg:$0x10];
	s12 =	sadd.s32 s30, s12;
	s3 =	sadd.s32 s26, s15;
	v48 =	vld [tilespmem:s1+$0x0]  }
0xc2: {  	s4 =	rddreg [dreg:$0xf];
	s13 =	sadd.s32 s2, s13;
	v49 =	vld [tilespmem:s3+$0x0];
	s1 =	sadd.s32 s31, s12;
	v5 =	vadd.f32 v43, v5;
	v6 =	vadd.f32 v44, v7  }
0xc3: {  	s4 =	sadd.s32 s30, s4;
	s6 =	rddreg [dreg:$0x11];
	s10 =	sadd.s32 s26, s13;
	v50 =	vld [tilespmem:s1+$0x0]  }
0xc4: {  	s6 =	sadd.s32 s2, s6;
	s14 =	rddreg [dreg:$0x10];
	v51 =	vld [tilespmem:s10+$0x0];
	s1 =	sadd.s32 s31, s4;
	v5 =	vadd.f32 v45, v5;
	v6 =	vadd.f32 v46, v6  }
0xc5: {  	s15 =	rddreg [dreg:$0x12];
	s3 =	sadd.s32 s30, s14;
	s4 =	sadd.s32 s26, s6;
	v52 =	vld [tilespmem:s1+$0x0]  }
0xc6: {  	s10 =	rddreg [dreg:$0x11];
	s12 =	sadd.s32 s2, s15;
	s13 =	sadd.s32 s31, s3;
	v53 =	vld [tilespmem:s4+$0x0];
	v5 =	vadd.f32 v47, v5;
	v6 =	vadd.f32 v48, v6  }
0xc7: {  	s15 =	sadd.s32 s30, s10;
	s1 =	sadd.s32 s26, s12;
	v54 =	vld [tilespmem:s13+$0x0]  }
0xc8: {  	s14 =	rddreg [dreg:$0x12];
	s26 =	sadd.s32 s31, s15;
	v56 =	vld [tilespmem:s1+$0x0];
	v5 =	vadd.f32 v49, v5;
	v6 =	vadd.f32 v50, v6  }
0xc9: {  	v55 =	vcvt.s32.f32 v1;
	v3 =	vadd.f32 v3, v4;
	s30 =	sadd.s32 s30, s14;
	v57 =	vld [tilespmem:s26+$0x0]  }
0xca: {  	v59 =	vld [tilespmem:s0+$0x10000];
	s31 =	sadd.s32 s31, s30;
	v5 =	vadd.f32 v51, v5;
	v58 =	vadd.f32 v52, v6  }
0xcb: {  	v3 =	vsub.f32 v3, v55;
	v60 =	vld [tilespmem:s31+$0x0]  }
0xcc: {  	v5 =	vadd.f32 v53, v5;
	v4 =	vadd.f32 v54, v58  }
0xcd: {  	vm0 =	veq.s32 v1, $0x5;
	vm1 =	veq.s32 v1, $0x0;
	v3 =	vmul.f32 $6.250000000e-02, v3  }
0xce: {  	v61 =	vcvt.s32.f32 v2;
	v5 =	vadd.f32 v56, v5;
	v1 =	vadd.f32 v57, v4  }
0xcf: {  	vm7 =	veq.s32 v2, $0x5;
	v63 =	vcvt.s32.f32 v59;
	vm2 =	vgt.f32 v3, $0.0e+00  }
0xd0: {  	vm3 =	vlt.f32 v3, $0.0e+00;
	v62 =	vsub.f32 v5, v61;
	v1 =	vadd.f32 v60, v1  }
0xd1: {  	vm8 =	veq.s32 v2, $0x0;
	vm0 =	vmand vm0, vm2;
	vm1 =	vmand vm1, vm3  }
0xd2: {  	vm0 =	vmor vm0, vm1;
	v4 =	vmul.f32 $6.250000000e-02, v62;
	v1 =	vsub.f32 v1, v63  }
0xd3: {  	vm11 =	veq.s32 v59, $0x5;
	vm12 =	veq.s32 v59, $0x0;
	v3 =	vsel vm0, $0x0, v3  }
0xd4: {  	vm9 =	vgt.f32 v4, $0.0e+00;
	vm10 =	vlt.f32 v4, $0.0e+00;
	v1 =	vmul.f32 $6.250000000e-02, v1  }
0xd5: {  	v2 =	vmul.f32 v3, v3;
	vm0 =	vmand vm7, vm9;
	vm1 =	vmand vm8, vm10  }
0xd6: {  	s25 =	sadd.s32 $0x1, s25;
	vm0 =	vmor vm0, vm1;
	vm13 =	vgt.f32 v1, $0.0e+00;
	vm4 =	vlt.f32 v1, $0.0e+00  }
0xd7: {  	p1 =	sne.s32 s25, $0x4;
	v3 =	vsel vm0, $0x0, v4;
	vm14 =	vmand vm11, vm13;
	vm15 =	vmand vm12, vm4  }
.Ltmp1:
0xd8: {  	v0 =	vadd.f32 v2, v0;
	v2 =	vmul.f32 v3, v3;
	vm0 =	vmor vm14, vm15;
	(pc) =	sbr.rel @p1 .LBB2_3-.Ltmp1, $3  }
0xd9: {  	v1 =	vsel vm0, $0x0, v1  }
0xda: {  	v0 =	vadd.f32 v2, v0;
	v1 =	vmul.f32 v1, v1;
	_ =	sdelay $0x1  }
0xdb: {  	v0 =	vadd.f32 v1, v0  }
0xdc: {  	s0 =	simm.s32 @p0 $0x200;
	s1 =	simm.s32 @p0 $0x400;
	s2 =	simm.s32 @p0 $0x0  }
0xdd: {  	[tilespmem:s2], [sflag:$0x1] =	stream.strided.gather @p0 [hbm4b:s8+s0], $0x800, s1, s0, $0x38;
	[tilespmem:$0x11080] =	vst v63  }
0xde: {  	s3 =	simm.s32 @p0 $0x800;
	s2 =	sadd.s32 @p0 $0x40000, s8  }
0xdf: {  	[tilespmem:s3], [sflag:$0x1] =	stream.strided.gather @p0 [hbm4b:s2+s0], $0x800, s1, s0, $0x38;
	[tilespmem:$0x11080] =	vst v63  }
0xe0: {  	s2 =	sadd.s32 @p0 $0x80000, s8;
	s3 =	simm.s32 @p0 $0x1000  }
0xe1: {  	[tilespmem:s3], [sflag:$0x1] =	stream.strided.gather @p0 [hbm4b:s2+s0], $0x800, s1, s0, $0x38;
	[tilespmem:$0x11080] =	vst v63  }
0xe2: {  	s2 =	sadd.s32 @p0 $0xC0000, s8;
	s3 =	simm.s32 @p0 $0x1800  }
0xe3: {  	[tilespmem:s3], [sflag:$0x1] =	stream.strided.gather @p0 [hbm4b:s2+s0], $0x800, s1, s0, $0x38;
	[tilespmem:$0x11080] =	vst v63  }
0xe4: {  	s2 =	sadd.s32 @p0 $0x100000, s8;
	s3 =	simm.s32 @p0 $0x2000  }
0xe5: {  	[tilespmem:s3], [sflag:$0x1] =	stream.strided.gather @p0 [hbm4b:s2+s0], $0x800, s1, s0, $0x38;
	[tilespmem:$0x11080] =	vst v63  }
0xe6: {  	s2 =	sadd.s32 @p0 $0x140000, s8;
	s3 =	simm.s32 @p0 $0x2800  }
0xe7: {  	[tilespmem:s3], [sflag:$0x1] =	stream.strided.gather @p0 [hbm4b:s2+s0], $0x800, s1, s0, $0x38;
	[tilespmem:$0x11080] =	vst v63  }
0xe8: {  	s2 =	sadd.s32 @p0 $0x180000, s8;
	s3 =	simm.s32 @p0 $0x3000  }
0xe9: {  	[tilespmem:s3], [sflag:$0x1] =	stream.strided.gather @p0 [hbm4b:s2+s0], $0x800, s1, s0, $0x38;
	[tilespmem:$0x11080] =	vst v63  }
0xea: {  	s2 =	sadd.s32 @p0 $0x1C0000, s8;
	s3 =	simm.s32 @p0 $0x3800  }
0xeb: {  	[tilespmem:s3], [sflag:$0x1] =	stream.strided.gather @p0 [hbm4b:s2+s0], $0x800, s1, s0, $0x38;
	[tilespmem:$0x11080] =	vst v63  }
0xec: {  	s2 =	sadd.s32 @p0 $0x200000, s8;
	s3 =	simm.s32 @p0 $0x4000  }
0xed: {  	[tilespmem:s3], [sflag:$0x1] =	stream.strided.gather @p0 [hbm4b:s2+s0], $0x800, s1, s0, $0x38;
	[tilespmem:$0x11080] =	vst v63  }
0xee: {  	s2 =	sadd.s32 @p0 $0x240000, s8;
	s3 =	simm.s32 @p0 $0x4800  }
0xef: {  	[tilespmem:s3], [sflag:$0x1] =	stream.strided.gather @p0 [hbm4b:s2+s0], $0x800, s1, s0, $0x38;
	[tilespmem:$0x11080] =	vst v63  }
0xf0: {  	s2 =	sadd.s32 @p0 $0x280000, s8;
	s3 =	simm.s32 @p0 $0x5000  }
0xf1: {  	[tilespmem:s3], [sflag:$0x1] =	stream.strided.gather @p0 [hbm4b:s2+s0], $0x800, s1, s0, $0x38;
	[tilespmem:$0x11080] =	vst v63  }
0xf2: {  	s2 =	sadd.s32 @p0 $0x2C0000, s8;
	s3 =	simm.s32 @p0 $0x5800  }
0xf3: {  	[tilespmem:s3], [sflag:$0x1] =	stream.strided.gather @p0 [hbm4b:s2+s0], $0x800, s1, s0, $0x38;
	[tilespmem:$0x11080] =	vst v63  }
0xf4: {  	s2 =	sadd.s32 @p0 $0x300000, s8;
	s3 =	simm.s32 @p0 $0x6000  }
0xf5: {  	[tilespmem:s3], [sflag:$0x1] =	stream.strided.gather @p0 [hbm4b:s2+s0], $0x800, s1, s0, $0x38;
	[tilespmem:$0x11080] =	vst v63  }
0xf6: {  	s2 =	sadd.s32 @p0 $0x340000, s8;
	s3 =	simm.s32 @p0 $0x6800  }
0xf7: {  	[tilespmem:s3], [sflag:$0x1] =	stream.strided.gather @p0 [hbm4b:s2+s0], $0x800, s1, s0, $0x38;
	[tilespmem:$0x11080] =	vst v63  }
0xf8: {  	s2 =	sadd.s32 @p0 $0x380000, s8;
	s3 =	simm.s32 @p0 $0x7000  }
0xf9: {  	[tilespmem:s3], [sflag:$0x1] =	stream.strided.gather @p0 [hbm4b:s2+s0], $0x800, s1, s0, $0x38;
	[tilespmem:$0x11080] =	vst v63  }
0xfa: {  	s2 =	sadd.s32 @p0 $0x3C0000, s8;
	s3 =	simm.s32 @p0 $0x7800  }
0xfb: {  	[tilespmem:s3], [sflag:$0x1] =	stream.strided.gather @p0 [hbm4b:s2+s0], $0x800, s1, s0, $0x38;
	[tilespmem:$0x11080] =	vst v63  }
0xfc: {  	s2 =	simm.s32 @p0 $0x10000  }
0xfd: {  	[tilespmem:s2], [sflag:$0x3] =	stream.strided.gather @p0 [hbm4b:s9+s0], $0x800, s1, s0, $0x38;
	[tilespmem:$0x11080] =	vst v63  }
0xfe: {  	_ =	swait.ge [sflag:s23], $0x8000  }
0xff: {  	[sflag:s23] =	ssyncset.done $0x0  }
0x100: {  	[sflag:s23] =	ssyncadd.s32 $0xFFFF8000  }
0x101: {  	_ =	swait.ge [sflag:s24], $0x800  }
0x102: {  	[sflag:s24] =	ssyncset.done $0x0  }
0x103: {  	s5 =	simm.s32 $0x0;
	s25 =	simm.s32 $0x0;
	[sflag:s24] =	ssyncadd.s32 $0xFFFFF800  }
.LBB2_7:
0x104: {  	s1 =	sshll.u32 s25, $0x7  }
0x105: {  	s0 =	sadd.s32 $0x8800, s1  }
0x106: {  	s26 =	sadd.s32 $0x9000, s1;
	[dreg:$0x13] =	wrdreg s0  }
0x107: {  	s2 =	sadd.s32 $0x9800, s1;
	[dreg:$0x14] =	wrdreg s26  }
0x108: {  	s3 =	sadd.s32 $0xA000, s1;
	[dreg:$0x15] =	wrdreg s2  }
0x109: {  	s4 =	sadd.s32 $0xA800, s1;
	[dreg:$0x16] =	wrdreg s3  }
0x10a: {  	s6 =	sadd.s32 $0xB000, s1;
	[dreg:$0x17] =	wrdreg s4  }
0x10b: {  	s10 =	sadd.s32 $0xB800, s1;
	[dreg:$0x18] =	wrdreg s6  }
0x10c: {  	s11 =	sadd.s32 $0xC000, s1;
	[dreg:$0x19] =	wrdreg s10  }
0x10d: {  	s12 =	sadd.s32 $0xC800, s1;
	[dreg:$0x1a] =	wrdreg s11  }
0x10e: {  	s13 =	sadd.s32 $0xD800, s1;
	[dreg:$0x1b] =	wrdreg s12  }
0x10f: {  	s15 =	sadd.s32 $0xE000, s1;
	s3 =	sand.u32 $0x600, s5;
	[dreg:$0x1d] =	wrdreg s13  }
0x110: {  	s0 =	sand.u32 $0x70, s5;
	s2 =	rddreg [dreg:$0x13];
	s6 =	sor.u32 s1, s3  }
0x111: {  	[dreg:$0x1e] =	wrdreg s15;
	s6 =	sor.u32 s0, s6;
	s2 =	sadd.s32 s3, s2  }
0x112: {  	s4 =	sadd.s32 $0xD000, s1;
	s10 =	rddreg [dreg:$0x14];
	v1 =	vld [tilespmem:s6+$0x8000];
	s2 =	sadd.s32 s0, s2  }
0x113: {  	[dreg:$0x1c] =	wrdreg s4;
	s14 =	sadd.s32 s3, s10;
	v2 =	vld [tilespmem:s2+$0x0]  }
0x114: {  	s11 =	rddreg [dreg:$0x15];
	s2 =	sadd.s32 s0, s14  }
0x115: {  	s26 =	rddreg [dreg:$0x16];
	s11 =	sadd.s32 s3, s11;
	v3 =	vld [tilespmem:s2+$0x0]  }
0x116: {  	s12 =	sadd.s32 $0xE800, s1;
	s13 =	rddreg [dreg:$0x17];
	s2 =	sadd.s32 s0, s11  }
0x117: {  	s15 =	sadd.s32 $0xF000, s1;
	[dreg:$0x1f] =	wrdreg s12;
	s14 =	sadd.s32 s3, s26;
	v4 =	vld [tilespmem:s2+$0x0]  }
0x118: {  	[smem:$0x7E8] =	sst s15;
	s2 =	sadd.s32 s0, s14;
	v1 =	vadd.f32 v2, v1  }
0x119: {  	s15 =	rddreg [dreg:$0x1a];
	s11 =	sadd.s32 s3, s13;
	v2 =	vld [tilespmem:s2+$0x0]  }
0x11a: {  	s12 =	sadd.s32 $0xF800, s1;
	s26 =	rddreg [dreg:$0x18];
	s2 =	sadd.s32 s0, s11;
	v1 =	vadd.f32 v3, v1  }
0x11b: {  	[smem:$0x7E9] =	sst s12;
	s14 =	sadd.s32 s3, s26;
	v3 =	vld [tilespmem:s2+$0x0]  }
0x11c: {  	s13 =	rddreg [dreg:$0x19];
	s2 =	sadd.s32 s0, s14;
	v1 =	vadd.f32 v4, v1  }
0x11d: {  	s12 =	rddreg [dreg:$0x1c];
	s14 =	sadd.s32 s3, s13;
	v4 =	vld [tilespmem:s2+$0x0]  }
0x11e: {  	s4 =	sadd.s32 s3, s15;
	s13 =	simm.s32 $0x40;
	s14 =	sadd.s32 s0, s14;
	v1 =	vadd.f32 v2, v1  }
0x11f: {  	s4 =	sadd.s32 s0, s4;
	s26 =	simm.s32 $0x10;
	s2 =	sand.u32 $0x600, s13;
	v2 =	vld [tilespmem:s14+$0x0]  }
0x120: {  	s26 =	sand.u32 $0x70, s26;
	s11 =	rddreg [dreg:$0x1b];
	s15 =	sor.u32 s1, s2;
	v1 =	vadd.f32 v3, v1  }
0x121: {  	s11 =	sadd.s32 s3, s11;
	s13 =	rddreg [dreg:$0x13];
	s10 =	sor.u32 s26, s15;
	v3 =	vld [tilespmem:s4+$0x0]  }
0x122: {  	s14 =	rddreg [dreg:$0x14];
	s15 =	sadd.s32 s2, s13;
	v5 =	vld [tilespmem:s10+$0x8000];
	s4 =	sadd.s32 s0, s11;
	v1 =	vadd.f32 v4, v1  }
0x123: {  	s12 =	sadd.s32 s3, s12;
	s13 =	rddreg [dreg:$0x1d];
	s11 =	sadd.s32 s26, s15;
	v4 =	vld [tilespmem:s4+$0x0]  }
0x124: {  	s14 =	sadd.s32 s2, s14;
	s15 =	rddreg [dreg:$0x15];
	v6 =	vld [tilespmem:s11+$0x0];
	s4 =	sadd.s32 s0, s12;
	v1 =	vadd.f32 v2, v1  }
0x125: {  	s11 =	sadd.s32 s26, s14;
	s14 =	rddreg [dreg:$0x16];
	v2 =	vld [tilespmem:s4+$0x0];
	s4 =	sadd.s32 s3, s13  }
0x126: {  	s15 =	sadd.s32 s2, s15;
	s12 =	rddreg [dreg:$0x1e];
	v7 =	vld [tilespmem:s11+$0x0];
	s4 =	sadd.s32 s0, s4;
	v1 =	vadd.f32 v3, v1  }
0x127: {  	s11 =	sadd.s32 s26, s15;
	s15 =	sadd.s32 s3, s12;
	s12 =	sld [smem:$0x7E8];
	v3 =	vld [tilespmem:s4+$0x0]  }
0x128: {  	s14 =	sadd.s32 s2, s14;
	v8 =	vld [tilespmem:s11+$0x0];
	s13 =	rddreg [dreg:$0x1f];
	s4 =	sadd.s32 s0, s15;
	v1 =	vadd.f32 v4, v1  }
0x129: {  	s11 =	rddreg [dreg:$0x17];
	s14 =	sadd.s32 s26, s14;
	s13 =	sadd.s32 s3, s13;
	v4 =	vld [tilespmem:s4+$0x0]  }
0x12a: {  	v9 =	vld [tilespmem:s14+$0x0];
	s11 =	sadd.s32 s2, s11;
	s14 =	rddreg [dreg:$0x19];
	v5 =	vadd.f32 v6, v5;
	s4 =	sadd.s32 s0, s13;
	v1 =	vadd.f32 v2, v1  }
0x12b: {  	s11 =	sadd.s32 s26, s11;
	s12 =	sadd.s32 s3, s12;
	s13 =	sld [smem:$0x7E9];
	v2 =	vld [tilespmem:s4+$0x0]  }
0x12c: {  	s14 =	sadd.s32 s2, s14;
	s15 =	rddreg [dreg:$0x18];
	v5 =	vadd.f32 v7, v5;
	v7 =	vld [tilespmem:s11+$0x0];
	s4 =	sadd.s32 s0, s12;
	v3 =	vadd.f32 v3, v1  }
0x12d: {  	s15 =	sadd.s32 s2, s15;
	s11 =	rddreg [dreg:$0x1b];
	s12 =	simm.s32 $0x20;
	v10 =	vld [tilespmem:s4+$0x0]  }
0x12e: {  	v5 =	vadd.f32 v8, v5;
	s3 =	sadd.s32 s3, s13;
	s4 =	rddreg [dreg:$0x1c];
	s13 =	sadd.s32 s26, s15;
	v1 =	vld [tilespmem:s6+$0x10800];
	v4 =	vadd.f32 v4, v3  }
0x12f: {  	s31 =	sand.u32 $0x70, s12;
	s12 =	rddreg [dreg:$0x14];
	s0 =	sadd.s32 s0, s3;
	v6 =	vld [tilespmem:s13+$0x0]  }
0x130: {  	s15 =	sadd.s32 s26, s14;
	s6 =	rddreg [dreg:$0x1a];
	v8 =	vadd.f32 v9, v5;
	v3 =	vld [tilespmem:s0+$0x0];
	s0 =	simm.s32 $0x80;
	v4 =	vadd.f32 v2, v4  }
0x131: {  	s14 =	rddreg [dreg:$0x13];
	v5 =	vld [tilespmem:s15+$0x0];
	s6 =	sadd.s32 s2, s6;
	s30 =	sand.u32 $0x600, s0  }
0x132: {  	s3 =	simm.s32 $0x30;
	v7 =	vadd.f32 v7, v8;
	s13 =	sadd.s32 s26, s6;
	s15 =	sor.u32 s1, s30;
	v2 =	vld [tilespmem:s10+$0x10800];
	v4 =	vadd.f32 v10, v4  }
.LBB2_8:
0x133: {  	p1 =	sne.s32 s3, $0x1F0;
	s6 =	sor.u32 s31, s15;
	v8 =	vld [tilespmem:s13+$0x0];
	s13 =	sadd.s32 s2, s11  }
0x134: {  	s10 =	smov.u32 s26;
	s26 =	smov.u32 s31;
	s11 =	smov.u32 s2  }
0x135: {  	s15 =	sadd.s32 s30, s14;
	s14 =	rddreg [dreg:$0x1d];
	v9 =	vld [tilespmem:s6+$0x8000];
	s13 =	sadd.s32 s10, s13;
	v6 =	vadd.f32 v6, v7  }
0x136: {  	s0 =	sadd.s32 $0x40, s0;
	s2 =	sadd.s32 s26, s15;
	s4 =	sadd.s32 s11, s4;
	v3 =	vadd.f32 v3, v4;
	v4 =	vcvt.s32.f32 v1;
	v7 =	vld [tilespmem:s13+$0x0]  }
0x137: {  	s15 =	rddreg [dreg:$0x15];
	v10 =	vld [tilespmem:s2+$0x0];
	s4 =	sadd.s32 s10, s4;
	s13 =	sadd.s32 s30, s12;
	v5 =	vadd.f32 v5, v6  }
0x138: {  	s12 =	rddreg [dreg:$0x1e];
	v3 =	vsub.f32 v3, v4;
	s2 =	sadd.s32 s26, s13;
	v4 =	vld [tilespmem:s4+$0x0];
	s4 =	sadd.s32 s11, s14  }
0x139: {  	s15 =	sadd.s32 s30, s15;
	s13 =	rddreg [dreg:$0x1f];
	v6 =	vld [tilespmem:s2+$0x0];
	s4 =	sadd.s32 s10, s4;
	v5 =	vadd.f32 v8, v5  }
0x13a: {  	s2 =	sadd.s32 s26, s15;
	s15 =	sadd.s32 s11, s12;
	s12 =	sld [smem:$0x7E8];
	v8 =	vld [tilespmem:s4+$0x0]  }
0x13b: {  	vm0 =	veq.s32 v1, $0x5;
	vm1 =	veq.s32 v1, $0x0;
	v1 =	vmovc v2;
	s14 =	rddreg [dreg:$0x16];
	s13 =	sadd.s32 s11, s13;
	v2 =	vld [tilespmem:s2+$0x0];
	s4 =	sadd.s32 s10, s15;
	v5 =	vadd.f32 v7, v5  }
0x13c: {  	s14 =	sadd.s32 s30, s14;
	v3 =	vmul.f32 $6.250000000e-02, v3;
	v62 =	vld [tilespmem:s4+$0x0];
	s4 =	sadd.s32 s10, s13;
	s13 =	sld [smem:$0x7E9];
	v7 =	vadd.f32 v10, v9  }
0x13d: {  	s2 =	rddreg [dreg:$0x17];
	s14 =	sadd.s32 s26, s14;
	s12 =	sadd.s32 s11, s12;
	v4 =	vadd.f32 v4, v5;
	v5 =	vld [tilespmem:s4+$0x0]  }
0x13e: {  	s15 =	rddreg [dreg:$0x18];
	vm2 =	vgt.f32 v3, $0.0e+00;
	vm3 =	vlt.f32 v3, $0.0e+00;
	v6 =	vadd.f32 v6, v7;
	v7 =	vld [tilespmem:s14+$0x0];
	s14 =	sadd.s32 s30, s2;
	s4 =	sadd.s32 s10, s12  }
0x13f: {  	vm0 =	vmand vm0, vm2;
	vm1 =	vmand vm1, vm3;
	s11 =	sadd.s32 s11, s13;
	s13 =	rddreg [dreg:$0x1a];
	s12 =	sadd.s32 s26, s14;
	v4 =	vadd.f32 v8, v4;
	v8 =	vld [tilespmem:s4+$0x0]  }
0x140: {  	s31 =	sand.u32 $0x70, s3;
	vm0 =	vmor vm0, vm1;
	s2 =	smov.u32 s30;
	s14 =	rddreg [dreg:$0x19];
	v11 =	vld [tilespmem:s12+$0x0]  }
.Ltmp2:
0x141: {  	v3 =	vsel vm0, $0x0, v3;
	s15 =	sadd.s32 s2, s15;
	s10 =	sadd.s32 s10, s11;
	v2 =	vadd.f32 v2, v6;
	v4 =	vadd.f32 v62, v4;
	(pc) =	sbr.rel @p1 .LBB2_8-.Ltmp2, $4  }
0x142: {  	v63 =	vmul.f32 v3, v3;
	s11 =	rddreg [dreg:$0x1b];
	s12 =	sadd.s32 s26, s15;
	v3 =	vld [tilespmem:s10+$0x0];
	s15 =	sadd.s32 s2, s14  }
0x143: {  	s3 =	sadd.s32 $0x10, s3;
	s4 =	rddreg [dreg:$0x1c];
	v6 =	vld [tilespmem:s12+$0x0];
	s10 =	sadd.s32 s26, s15;
	v2 =	vadd.f32 v7, v2;
	v4 =	vadd.f32 v5, v4  }
0x144: {  	s30 =	sand.u32 $0x600, s0;
	s13 =	sadd.s32 s2, s13;
	s14 =	rddreg [dreg:$0x13];
	v0 =	vadd.f32 v63, v0;
	v5 =	vld [tilespmem:s10+$0x0]  }
0x145: {  	s13 =	sadd.s32 s26, s13;
	s12 =	rddreg [dreg:$0x14];
	s15 =	sor.u32 s1, s30;
	v7 =	vadd.f32 v11, v2;
	v2 =	vld [tilespmem:s6+$0x10800];
	v4 =	vadd.f32 v8, v4  }
0x146: {  	s0 =	sor.u32 s31, s15;
	s1 =	sadd.s32 s30, s14  }
0x147: {  	v8 =	vld [tilespmem:s0+$0x8000];
	s1 =	sadd.s32 s31, s1  }
0x148: {  	s6 =	sadd.s32 s30, s12;
	v9 =	vld [tilespmem:s1+$0x0]  }
0x149: {  	s3 =	rddreg [dreg:$0x15];
	s1 =	sadd.s32 s31, s6  }
0x14a: {  	s10 =	sadd.s32 s30, s3;
	v10 =	vld [tilespmem:s1+$0x0]  }
0x14b: {  	s6 =	rddreg [dreg:$0x16];
	s1 =	sadd.s32 s31, s10  }
0x14c: {  	s14 =	sadd.s32 s30, s6;
	v11 =	vld [tilespmem:s1+$0x0]  }
0x14d: {  	s12 =	rddreg [dreg:$0x17];
	s1 =	sadd.s32 s31, s14;
	v8 =	vadd.f32 v9, v8  }
0x14e: {  	s10 =	sadd.s32 s30, s12;
	v38 =	vld [tilespmem:s1+$0x0]  }
0x14f: {  	s15 =	rddreg [dreg:$0x18];
	s1 =	sadd.s32 s31, s10;
	v8 =	vadd.f32 v10, v8  }
0x150: {  	s14 =	sadd.s32 s30, s15;
	v39 =	vld [tilespmem:s1+$0x0]  }
0x151: {  	v41 =	vld [tilespmem:s13+$0x0];
	s12 =	rddreg [dreg:$0x19];
	s1 =	sadd.s32 s31, s14;
	v8 =	vadd.f32 v11, v8  }
0x152: {  	s13 =	sadd.s32 s2, s4;
	s4 =	rddreg [dreg:$0x1e];
	s3 =	sadd.s32 s30, s12;
	v40 =	vld [tilespmem:s1+$0x0]  }
0x153: {  	s11 =	sadd.s32 s2, s11;
	s15 =	rddreg [dreg:$0x1a];
	s1 =	sadd.s32 s31, s3;
	v8 =	vadd.f32 v38, v8  }
0x154: {  	s6 =	sld [smem:$0x7E8];
	s12 =	sadd.s32 s30, s15;
	s3 =	sadd.s32 s26, s11;
	v42 =	vld [tilespmem:s1+$0x0]  }
0x155: {  	v6 =	vadd.f32 v6, v7;
	s10 =	rddreg [dreg:$0x1b];
	v43 =	vld [tilespmem:s3+$0x0];
	s1 =	sadd.s32 s31, s12;
	v8 =	vadd.f32 v39, v8  }
0x156: {  	s10 =	sadd.s32 s30, s10;
	s11 =	rddreg [dreg:$0x1d];
	s3 =	sadd.s32 s26, s13;
	v44 =	vld [tilespmem:s1+$0x0]  }
0x157: {  	v5 =	vadd.f32 v5, v6;
	s14 =	rddreg [dreg:$0x1c];
	s11 =	sadd.s32 s2, s11;
	v45 =	vld [tilespmem:s3+$0x0];
	s1 =	sadd.s32 s31, s10;
	v8 =	vadd.f32 v40, v8  }
0x158: {  	s15 =	rddreg [dreg:$0x1e];
	s14 =	sadd.s32 s30, s14;
	s3 =	sadd.s32 s26, s11;
	v46 =	vld [tilespmem:s1+$0x0]  }
0x159: {  	v5 =	vadd.f32 v41, v5;
	s15 =	sadd.s32 s2, s15;
	s12 =	rddreg [dreg:$0x1d];
	v47 =	vld [tilespmem:s3+$0x0];
	s1 =	sadd.s32 s31, s14;
	v7 =	vadd.f32 v42, v8  }
0x15a: {  	s13 =	rddreg [dreg:$0x1f];
	s12 =	sadd.s32 s30, s12;
	s3 =	sadd.s32 s26, s15;
	v48 =	vld [tilespmem:s1+$0x0]  }
0x15b: {  	s13 =	sadd.s32 s2, s13;
	s14 =	rddreg [dreg:$0x1f];
	v49 =	vld [tilespmem:s3+$0x0];
	s1 =	sadd.s32 s31, s12;
	v5 =	vadd.f32 v43, v5;
	v6 =	vadd.f32 v44, v7  }
0x15c: {  	s4 =	sadd.s32 s30, s4;
	s10 =	sadd.s32 s26, s13;
	s15 =	sld [smem:$0x7E9];
	v50 =	vld [tilespmem:s1+$0x0]  }
0x15d: {  	s6 =	sadd.s32 s2, s6;
	v51 =	vld [tilespmem:s10+$0x0];
	s10 =	sld [smem:$0x7E8];
	s1 =	sadd.s32 s31, s4;
	v5 =	vadd.f32 v45, v5;
	v6 =	vadd.f32 v46, v6  }
0x15e: {  	s3 =	sadd.s32 s30, s14;
	s4 =	sadd.s32 s26, s6;
	v52 =	vld [tilespmem:s1+$0x0]  }
0x15f: {  	s14 =	sld [smem:$0x7E9];
	s13 =	sadd.s32 s31, s3;
	v53 =	vld [tilespmem:s4+$0x0];
	s12 =	sadd.s32 s2, s15;
	v5 =	vadd.f32 v47, v5;
	v6 =	vadd.f32 v48, v6  }
0x160: {  	v54 =	vld [tilespmem:s13+$0x0];
	s1 =	sadd.s32 s26, s12;
	s15 =	sadd.s32 s30, s10  }
0x161: {  	v56 =	vld [tilespmem:s1+$0x0];
	s26 =	sadd.s32 s31, s15;
	v5 =	vadd.f32 v49, v5;
	v6 =	vadd.f32 v50, v6  }
0x162: {  	v55 =	vcvt.s32.f32 v1;
	v3 =	vadd.f32 v3, v4;
	s30 =	sadd.s32 s30, s14;
	v57 =	vld [tilespmem:s26+$0x0]  }
0x163: {  	v59 =	vld [tilespmem:s0+$0x10800];
	s31 =	sadd.s32 s31, s30;
	v5 =	vadd.f32 v51, v5;
	v58 =	vadd.f32 v52, v6  }
0x164: {  	v3 =	vsub.f32 v3, v55;
	v60 =	vld [tilespmem:s31+$0x0]  }
0x165: {  	v5 =	vadd.f32 v53, v5;
	v4 =	vadd.f32 v54, v58  }
0x166: {  	vm0 =	veq.s32 v1, $0x5;
	vm1 =	veq.s32 v1, $0x0;
	v3 =	vmul.f32 $6.250000000e-02, v3  }
0x167: {  	v61 =	vcvt.s32.f32 v2;
	v5 =	vadd.f32 v56, v5;
	v1 =	vadd.f32 v57, v4  }
0x168: {  	vm7 =	veq.s32 v2, $0x5;
	v63 =	vcvt.s32.f32 v59;
	vm2 =	vgt.f32 v3, $0.0e+00  }
0x169: {  	vm3 =	vlt.f32 v3, $0.0e+00;
	v62 =	vsub.f32 v5, v61;
	v1 =	vadd.f32 v60, v1  }
0x16a: {  	vm8 =	veq.s32 v2, $0x0;
	vm0 =	vmand vm0, vm2;
	vm1 =	vmand vm1, vm3  }
0x16b: {  	vm0 =	vmor vm0, vm1;
	v4 =	vmul.f32 $6.250000000e-02, v62;
	v1 =	vsub.f32 v1, v63  }
0x16c: {  	vm11 =	veq.s32 v59, $0x5;
	vm12 =	veq.s32 v59, $0x0;
	v3 =	vsel vm0, $0x0, v3  }
0x16d: {  	vm9 =	vgt.f32 v4, $0.0e+00;
	vm10 =	vlt.f32 v4, $0.0e+00;
	v1 =	vmul.f32 $6.250000000e-02, v1  }
0x16e: {  	v2 =	vmul.f32 v3, v3;
	vm0 =	vmand vm7, vm9;
	vm1 =	vmand vm8, vm10  }
0x16f: {  	s25 =	sadd.s32 $0x1, s25;
	vm0 =	vmor vm0, vm1;
	vm13 =	vgt.f32 v1, $0.0e+00;
	vm4 =	vlt.f32 v1, $0.0e+00  }
0x170: {  	p1 =	sne.s32 s25, $0x4;
	v3 =	vsel vm0, $0x0, v4;
	vm14 =	vmand vm11, vm13;
	vm15 =	vmand vm12, vm4  }
.Ltmp3:
0x171: {  	v0 =	vadd.f32 v2, v0;
	v2 =	vmul.f32 v3, v3;
	vm0 =	vmor vm14, vm15;
	(pc) =	sbr.rel @p1 .LBB2_7-.Ltmp3, $3  }
0x172: {  	v1 =	vsel vm0, $0x0, v1  }
0x173: {  	v0 =	vadd.f32 v2, v0;
	v1 =	vmul.f32 v1, v1;
	_ =	sdelay $0x1  }
0x174: {  	v0 =	vadd.f32 v1, v0  }
.Ltmp4:
0x175: {  	(pc) =	sbr.rel @p0 .LBB2_2-.Ltmp4, $2  }
0x176: {  	_ =	sdelay $0x2  }
0x177: {  	s0 =	simm.s32 $0x200;
	p1 =	por $0x0, $0x0  }
0x178: {  	s0 =	sld [smem:$0x7EC];
	_ =	sdelay $0x1  }
0x179: {  	[tilespmem:$0x11000] =	vst v0;
	s10 =	simm.s32 $0x0;
	s1 =	simm.s32 $0x11000;
	s30 =	simm.s32 $0x5  }
0x17a: {  	[hbm4b:s0+s10] =	stream.linear.scatter [tilespmem:s1], [sflag:$0x5], $0x80, $0x38;
	[tilespmem:$0x11080] =	vst v63  }
0x17b: {  	_ =	swait.ge [sflag:s30], $0x80  }
0x17c: {  	s2 =	sld [smem:$0x7EA]  }
0x17d: {  	s31 =	sld [smem:$0x7ED];
	_ =	sdelay $0x1  }
0x17e: {  	s2 =	sadd.s32 $0x1, s2  }
0x17f: {  	p0 =	sne.s32 s2, s31  }
.Ltmp5:
0x180: {  	_ = 	snop;
	(pc) =	sbr.rel @p0 .LBB2_1-.Ltmp5, $3  }
0x181: {  	_ =	sdelay $0x1  }
0x182: {  	[sflag:s30] =	ssyncset.done $0x0  }
0x183: {  	[sflag:s30] =	ssyncadd.s32 $0xFFFFFF80  }
0x184: {  	_ =	sfence.sel $0x180000  }
0x185: {  	[bflag:$0x0] =	sbarrier.arrive $0xFFFF  }
0x186: {  	_ =	strace $0x90000047  }
0x187: {  	s0 =	stileid.u32;
	[bflag:$0x2] =	sbarrier.arrive $0xFFFF  }
0x188: {  	p0 =	sne.s32 s0, $0x0;
	s0 =	rddreg [dreg:$0x3]  }
0x189: {  	s0 =	sadd.s32 @!p0 $0x100000, s0  }
0x18a: {  	[sflag:s0] =	ssyncadd.tile.s32 @!p0 $0x1;
	_ =	shalt  }
.Lfunc_end2:
_tile_overlayer_lowered:
.L_overlay_start_2:
0x18b: {  	(tag) =	ssettag $0x2  }
0x18c: {  	s0 =	rddreg [dreg:$0x0];
	s2 =	stileid.u32  }
0x18d: {  	s1 =	rddreg [dreg:$0x1];
	p0 =	sne.s32 s2, $0x0  }
0x18e: {  	s3 =	rddreg [dreg:$0x2];
	[bflag:$0x3] =	sbarrier.arrive $0xFFFF;
	s2 =	simm.s32 @!p0 $0x1C05  }
0x18f: {  	[timem:s3], [sflag:s2] =	dma.local @!p0 [hbm:s0], s1  }
0x190: {  	s0 =	simm.s32 @!p0 $0x5  }
0x191: {  	_ =	swait.ge @!p0 [sflag:s0], s1  }
0x192: {  	s1 =	ssub.s32 @!p0 $0x0, s1;
	[sflag:s0] =	ssyncset.done @!p0 $0x0  }
0x193: {  	[sflag:s0] =	ssyncadd.s32 @!p0 s1  }
0x194: {  	[bflag:$0x3] =	sbarrier.arrive $0xFFFF  }
0x195: {  	_ =	shalt  }

</sc_bundles>
